<compile_context>
chip_gen: v7x
topology: tpu7x:2x2x1
jax: 0.10.2.dev20260603
libtpu: 0.0.44.dev20260713+nightly
codegen_flags: <defaults>
</compile_context>

<pallas_src>
import functools

import jax
import jax.numpy as jnp
from jax import lax
from jax.experimental import pallas as pl
from jax.experimental.pallas import tpu as pltpu
from jax.experimental.pallas import tpu_sc as plsc

B, P, C = 32, 20000, 21
TB = B
TPL = 2048
NB = -(-P // TPL)
LANES = 16
NC = 2
NV = P // LANES
SEARCH_ITERS = 20
NEG_ONE_BITS = -1082130432


def _tc_body(conf_ref, lab_ref, ploc_ref, gloc_ref,
             negv_ref, negb_ref, stats_ref, kv_ref):
    i = pl.program_id(0)
    x = conf_ref[...]
    lab = lab_ref[...]
    s = jnp.sum(jnp.exp(x), axis=0)
    lse = jnp.log(s)
    bg = jnp.maximum(lse - x[0], 0.0)
    cls = lax.broadcasted_iota(jnp.int32, (C, TB, TPL), 0)
    xl = jnp.sum(jnp.where(cls == lab[None], x, 0.0), axis=0)
    ce = lse - xl
    valid = (lax.broadcasted_iota(jnp.int32, (TB, TPL), 1) + i * TPL) < P
    pos = (lab > 0) & valid
    posf = jnp.where(pos, 1.0, 0.0)
    negv_ref[...] = jnp.where(pos, -1.0, bg)
    negb_ref[...] = jnp.where(pos, NEG_ONE_BITS,
                              lax.bitcast_convert_type(bg, jnp.int32))

    d = ploc_ref[...] - gloc_ref[...]
    ad = jnp.abs(d)
    sl1 = jnp.where(ad < 1.0, 0.5 * d * d, ad - 0.5)
    sl1c = sl1[:, 0] + sl1[:, 1] + sl1[:, 2] + sl1[:, 3]
    sl1_row = jnp.sum(jnp.where(pos, sl1c, 0.0), axis=1, keepdims=True)
    npos_row = jnp.sum(posf, axis=1, keepdims=True)
    pce_row = jnp.sum(jnp.where(pos, ce, 0.0), axis=1, keepdims=True)

    lane = lax.broadcasted_iota(jnp.int32, (TB, 128), 1)
    upd = (jnp.where(lane == 0, npos_row, 0.0)
           + jnp.where(lane == 1, pce_row, 0.0)
           + jnp.where(lane == 2, sl1_row, 0.0))

    @pl.when(i == 0)
    def _():
        stats_ref[...] = upd

    @pl.when(i > 0)
    def _():
        stats_ref[...] = stats_ref[...] + upd

    @pl.when(i == NB - 1)
    def _():
        st = stats_ref[...]
        np_row = st[:, 0:1]
        k_row = jnp.minimum(3.0 * np_row, jnp.float32(P) - np_row)
        kv_ref[...] = jnp.broadcast_to(k_row, (TB, 128))


def _tc_phase(conf_t, labels, ploc_t, gloc_t):
    return pl.pallas_call(
        _tc_body,
        grid=(NB,),
        in_specs=[
            pl.BlockSpec((C, TB, TPL), lambda i: (0, 0, i)),
            pl.BlockSpec((TB, TPL), lambda i: (0, i)),
            pl.BlockSpec((TB, 4, TPL), lambda i: (0, 0, i)),
            pl.BlockSpec((TB, 4, TPL), lambda i: (0, 0, i)),
        ],
        out_specs=[
            pl.BlockSpec((TB, TPL), lambda i: (0, i)),
            pl.BlockSpec((TB, TPL), lambda i: (0, i)),
            pl.BlockSpec((TB, 128), lambda i: (0, 0)),
            pl.BlockSpec((TB, 128), lambda i: (0, 0)),
        ],
        out_shape=[
            jax.ShapeDtypeStruct((B, P), jnp.float32),
            jax.ShapeDtypeStruct((B, P), jnp.int32),
            jax.ShapeDtypeStruct((B, 128), jnp.float32),
            jax.ShapeDtypeStruct((B, 128), jnp.float32),
        ],
    )(conf_t, labels, ploc_t, gloc_t)


def _sc_mesh_kernel():
    mesh = plsc.VectorSubcoreMesh(core_axis_name="c", subcore_axis_name="s")

    @functools.partial(
        pl.kernel,
        mesh=mesh,
        out_type=[
            jax.ShapeDtypeStruct((B, LANES), jnp.float32),
            jax.ShapeDtypeStruct((B, LANES), jnp.int32),
        ],
        scratch_types=[
            pltpu.VMEM((P,), jnp.float32),
            pltpu.VMEM((P,), jnp.int32),
            pltpu.VMEM((128,), jnp.float32),
            pltpu.VMEM((LANES,), jnp.float32),
            pltpu.VMEM((LANES,), jnp.int32),
            pltpu.VMEM((2 * LANES,), jnp.int32),
        ],
    )
    def topk_sum(negv_hbm, negbits_hbm, kv_hbm, sums_hbm, enc_hbm,
                 vals_v, bits_v, kv_v, sums_v, enc_v, buf_v):

        def xlane_sum_i32(x):
            for sh in (8, 4, 2, 1):
                buf_v[pl.ds(0, LANES)] = x
                buf_v[pl.ds(LANES, LANES)] = x
                x = buf_v[pl.ds(0, LANES)] + buf_v[pl.ds(sh, LANES)]
            return x

        wid = lax.axis_index("s") * NC + lax.axis_index("c")
        pltpu.sync_copy(negv_hbm.at[wid], vals_v)
        pltpu.sync_copy(negbits_hbm.at[wid], bits_v)
        pltpu.sync_copy(kv_hbm.at[wid], kv_v)
        k_vec = kv_v[pl.ds(0, LANES)].astype(jnp.int32)

        ones_i = jnp.full((LANES,), 1, jnp.int32)
        zeros_i = jnp.zeros((LANES,), jnp.int32)

        def count_ge(tv):
            def body(j, acc):
                b = bits_v[pl.ds(j * LANES, LANES)]
                return acc + jnp.where(b >= tv, ones_i, zeros_i)

            acc = lax.fori_loop(0, NV, body,
                                jnp.zeros((LANES,), jnp.int32), unroll=8)
            return xlane_sum_i32(acc)

        def bs_body(_, lohi):
            lo, hi = lohi
            mid = lo + jnp.right_shift(hi - lo + 1, 1)
            good = count_ge(mid) >= k_vec
            return (jnp.where(good, mid, lo), jnp.where(good, hi, mid - 1))

        lo0 = jnp.zeros((LANES,), jnp.int32)
        hi0 = jnp.full((LANES,), 0x7F800000, jnp.int32)
        _, hi = lax.fori_loop(0, SEARCH_ITERS, bs_body, (lo0, hi0))

        def body2(j, carry):
            sacc, cacc = carry
            b = bits_v[pl.ds(j * LANES, LANES)]
            v = vals_v[pl.ds(j * LANES, LANES)]
            gt = b > hi
            return (sacc + jnp.where(gt, v, jnp.zeros((LANES,), jnp.float32)),
                    cacc + jnp.where(gt, ones_i, zeros_i))

        sacc, cacc = lax.fori_loop(
            0, NV, body2,
            (jnp.zeros((LANES,), jnp.float32), jnp.zeros((LANES,), jnp.int32)),
            unroll=8)
        cnt_gt = xlane_sum_i32(cacc)
        lane = lax.iota(jnp.int32, LANES)
        sums_v[...] = sacc
        enc_v[...] = jnp.where(lane == 0, hi, cnt_gt)
        pltpu.sync_copy(sums_v, sums_hbm.at[wid])
        pltpu.sync_copy(enc_v, enc_hbm.at[wid])

    return topk_sum


def kernel(confidence, predicted_locations, labels, gt_locations):
    conf_t = jnp.transpose(confidence, (2, 0, 1))
    ploc_t = jnp.transpose(predicted_locations, (0, 2, 1))
    gloc_t = jnp.transpose(gt_locations, (0, 2, 1))
    negv, negbits, stats, kv = _tc_phase(conf_t, labels, ploc_t, gloc_t)
    num_pos_row = stats[:, 0]
    pce_row = stats[:, 1]
    sl1_row = stats[:, 2]
    k_row = jnp.minimum(3.0 * num_pos_row, jnp.float32(P) - num_pos_row)

    sums, enc = _sc_mesh_kernel()(negv, negbits, kv)

    t_row = lax.bitcast_convert_type(enc[:, 0], jnp.float32)
    m_row = k_row - enc[:, 1].astype(jnp.float32)
    topk_row = jnp.sum(sums, axis=1) + jnp.where(m_row > 0, m_row * t_row, 0.0)

    num_pos = jnp.sum(num_pos_row)
    cls_loss = jnp.sum(pce_row) + jnp.sum(topk_row)
    sl1_loss = jnp.sum(sl1_row)
    return sl1_loss / num_pos, cls_loss / num_pos

# --- scband reference (transcript-rebuilt; emitter-appended) ---
"""Pipeline reference for scband-multibox-loss-11716670783869 (READ-ONLY COPY).

The authoritative reference and input builder live on the scoring server;
editing this copy changes nothing except your own understanding.
"""

import jax, jax.numpy as jnp
import numpy as np

NEG_POS_RATIO = 3


def hard_negative_mining(loss, labels, neg_pos_ratio):
    # loss: (B, P) background -log_softmax, labels: (B, P)
    pos_mask = labels > 0
    num_pos = pos_mask.sum(axis=1, keepdims=True)
    num_neg = num_pos * neg_pos_ratio
    loss = jnp.where(pos_mask, -jnp.inf, loss)
    indexes = jnp.argsort(-loss, axis=1)          # descending sort of loss
    orders = jnp.argsort(indexes, axis=1)         # rank of each prior
    neg_mask = orders < num_neg
    return pos_mask | neg_mask


def setup_inputs(seed: int = 0) -> dict:
    key = jax.random.key(seed)
    k1, k2, k3, k4 = jax.random.split(key, 4)
    B, P, C = 32, 20000, 21
    confidence = jax.random.normal(k1, (B, P, C), dtype=jnp.float32)
    predicted_locations = jax.random.normal(k2, (B, P, 4), dtype=jnp.float32)
    labels = jax.random.randint(k3, (B, P), 0, 21, dtype=jnp.int32)
    gt_locations = jax.random.normal(k4, (B, P, 4), dtype=jnp.float32)
    return {
        "confidence": confidence,
        "predicted_locations": predicted_locations,
        "labels": labels,
        "gt_locations": gt_locations,
    }


def reference(confidence, predicted_locations, labels, gt_locations):
    # default path: multibox_loss_mode=None, return_loss_per_image=False,
    # normalize_loss_to_num=True
    logp = jax.nn.log_softmax(confidence, axis=2)
    # mining is done under no_grad in torch -> mask is a constant w.r.t. grads
    bg_loss = -logp[:, :, 0]
    mask = hard_negative_mining(bg_loss, labels, NEG_POS_RATIO)

    # F.cross_entropy(confidence[mask], labels[mask], size_average=False)
    # legacy size_average=False overrides reduction -> summed CE over masked priors
    ce = -jnp.take_along_axis(logp, labels[..., None].astype(jnp.int32), axis=2)[..., 0]
    classification_loss = jnp.sum(jnp.where(mask, ce, 0.0))

    # Smooth L1 (beta=1) summed over positive priors
    pos_mask = labels > 0
    diff = predicted_locations - gt_locations
    ad = jnp.abs(diff)
    sl1 = jnp.where(ad < 1.0, 0.5 * diff * diff, ad - 0.5)
    smooth_l1_loss = jnp.sum(sl1 * pos_mask[..., None].astype(sl1.dtype))

    num_pos = jnp.sum(pos_mask).astype(jnp.float32)
    return smooth_l1_loss / num_pos, classification_loss / num_pos


if False:  # reference __main__ guard neutralized (emitter)
    out = reference(**setup_inputs())
    print(out[0], out[1])

if __name__ == "__main__":
    import jax
    _d = setup_inputs()
    print(jax.jit(kernel)(*tuple(_d.values())))

</pallas_src>

<mosaic_0001>
#map = affine_map<(d0, d1) -> (0, 0)>
module attributes {stable_mosaic.version = 14 : i64} {
  func.func @topk_sum(%arg0: i32, %arg1: i32, %arg2: memref<32x20000xf32, #tpu.memory_space<hbm>>, %arg3: memref<32x20000xi32, #tpu.memory_space<hbm>>, %arg4: memref<32x128xf32, #tpu.memory_space<hbm>>, %arg5: memref<32x16xf32, #tpu.memory_space<hbm>>, %arg6: memref<32x16xi32, #tpu.memory_space<hbm>>, %arg7: memref<20000xf32, #tpu.memory_space<vmem>>, %arg8: memref<20000xi32, #tpu.memory_space<vmem>>, %arg9: memref<128xf32, #tpu.memory_space<vmem>>, %arg10: memref<16xf32, #tpu.memory_space<vmem>>, %arg11: memref<16xi32, #tpu.memory_space<vmem>>, %arg12: memref<32xi32, #tpu.memory_space<vmem>>) attributes {dimension_semantics = [#tpu.dimension_semantics<core_parallel>, #tpu.dimension_semantics<subcore_parallel>], iteration_bounds = array<i64: 2, 16>, scalar_prefetch = 0 : i64, scratch_operands = 6 : i64, tpu.core_type = #tpu.core_type<sc_vector_subcore>, window_params = [{transform_indices = #map}, {transform_indices = #map}, {transform_indices = #map}, {transform_indices = #map}, {transform_indices = #map}]} {
    %mul3A = arith.constant 2 : i32
    %mul3A_0 = arith.muli %arg1, %mul3A : i32
    %add3A = arith.addi %mul3A_0, %arg0 : i32
    "tpu.region"() ({
      %run_scoped3A = tpu.sem_alloc : memref<!tpu.dma_semaphore, #tpu.memory_space<semaphore_mem>>
      %dma_start3A = arith.constant 0 : i32
      %dma_start3A_131 = tpu.memref_slice %arg2[%add3A, %dma_start3A] : memref<32x20000xf32, #tpu.memory_space<hbm>> -> memref<1x20000xf32, #tpu.memory_space<hbm>>
      %dma_start3A_132 = tpu.memref_squeeze %dma_start3A_131 : memref<1x20000xf32, #tpu.memory_space<hbm>> -> memref<20000xf32, #tpu.memory_space<hbm>>
      %dma_start3A_133 = arith.constant 0 : i32
      %dma_start3A_134 = tpu.memref_slice %arg2[%add3A, %dma_start3A_133] : memref<32x20000xf32, #tpu.memory_space<hbm>> -> memref<1x20000xf32, #tpu.memory_space<hbm>>
      %dma_start3A_135 = tpu.memref_squeeze %dma_start3A_134 : memref<1x20000xf32, #tpu.memory_space<hbm>> -> memref<20000xf32, #tpu.memory_space<hbm>>
      tpu.enqueue_dma source(%dma_start3A_135 : memref<20000xf32, #tpu.memory_space<hbm>>) target(%arg7 : memref<20000xf32, #tpu.memory_space<vmem>>) target_semaphore(%run_scoped3A : memref<!tpu.dma_semaphore, #tpu.memory_space<semaphore_mem>>)
      %dma_wait3A = arith.constant 0 : i32
      %dma_wait3A_136 = tpu.memref_slice %arg2[%add3A, %dma_wait3A] : memref<32x20000xf32, #tpu.memory_space<hbm>> -> memref<1x20000xf32, #tpu.memory_space<hbm>>
      %dma_wait3A_137 = tpu.memref_squeeze %dma_wait3A_136 : memref<1x20000xf32, #tpu.memory_space<hbm>> -> memref<20000xf32, #tpu.memory_space<hbm>>
      %dma_wait3A_138 = arith.constant 0 : i32
      %dma_wait3A_139 = tpu.memref_slice %arg2[%add3A, %dma_wait3A_138] : memref<32x20000xf32, #tpu.memory_space<hbm>> -> memref<1x20000xf32, #tpu.memory_space<hbm>>
      %dma_wait3A_140 = tpu.memref_squeeze %dma_wait3A_139 : memref<1x20000xf32, #tpu.memory_space<hbm>> -> memref<20000xf32, #tpu.memory_space<hbm>>
      tpu.wait_dma2 semaphore(%run_scoped3A : memref<!tpu.dma_semaphore, #tpu.memory_space<semaphore_mem>>) src(%dma_wait3A_140 : memref<20000xf32, #tpu.memory_space<hbm>>) dst(%arg7 : memref<20000xf32, #tpu.memory_space<vmem>>)
      tpu.yield
    }) : () -> ()
    "tpu.region"() ({
      %run_scoped3A = tpu.sem_alloc : memref<!tpu.dma_semaphore, #tpu.memory_space<semaphore_mem>>
      %dma_start3A = arith.constant 0 : i32
      %dma_start3A_131 = tpu.memref_slice %arg3[%add3A, %dma_start3A] : memref<32x20000xi32, #tpu.memory_space<hbm>> -> memref<1x20000xi32, #tpu.memory_space<hbm>>
      %dma_start3A_132 = tpu.memref_squeeze %dma_start3A_131 : memref<1x20000xi32, #tpu.memory_space<hbm>> -> memref<20000xi32, #tpu.memory_space<hbm>>
      %dma_start3A_133 = arith.constant 0 : i32
      %dma_start3A_134 = tpu.memref_slice %arg3[%add3A, %dma_start3A_133] : memref<32x20000xi32, #tpu.memory_space<hbm>> -> memref<1x20000xi32, #tpu.memory_space<hbm>>
      %dma_start3A_135 = tpu.memref_squeeze %dma_start3A_134 : memref<1x20000xi32, #tpu.memory_space<hbm>> -> memref<20000xi32, #tpu.memory_space<hbm>>
      tpu.enqueue_dma source(%dma_start3A_135 : memref<20000xi32, #tpu.memory_space<hbm>>) target(%arg8 : memref<20000xi32, #tpu.memory_space<vmem>>) target_semaphore(%run_scoped3A : memref<!tpu.dma_semaphore, #tpu.memory_space<semaphore_mem>>)
      %dma_wait3A = arith.constant 0 : i32
      %dma_wait3A_136 = tpu.memref_slice %arg3[%add3A, %dma_wait3A] : memref<32x20000xi32, #tpu.memory_space<hbm>> -> memref<1x20000xi32, #tpu.memory_space<hbm>>
      %dma_wait3A_137 = tpu.memref_squeeze %dma_wait3A_136 : memref<1x20000xi32, #tpu.memory_space<hbm>> -> memref<20000xi32, #tpu.memory_space<hbm>>
      %dma_wait3A_138 = arith.constant 0 : i32
      %dma_wait3A_139 = tpu.memref_slice %arg3[%add3A, %dma_wait3A_138] : memref<32x20000xi32, #tpu.memory_space<hbm>> -> memref<1x20000xi32, #tpu.memory_space<hbm>>
      %dma_wait3A_140 = tpu.memref_squeeze %dma_wait3A_139 : memref<1x20000xi32, #tpu.memory_space<hbm>> -> memref<20000xi32, #tpu.memory_space<hbm>>
      tpu.wait_dma2 semaphore(%run_scoped3A : memref<!tpu.dma_semaphore, #tpu.memory_space<semaphore_mem>>) src(%dma_wait3A_140 : memref<20000xi32, #tpu.memory_space<hbm>>) dst(%arg8 : memref<20000xi32, #tpu.memory_space<vmem>>)
      tpu.yield
    }) : () -> ()
    "tpu.region"() ({
      %run_scoped3A = tpu.sem_alloc : memref<!tpu.dma_semaphore, #tpu.memory_space<semaphore_mem>>
      %dma_start3A = arith.constant 0 : i32
      %dma_start3A_131 = tpu.memref_slice %arg4[%add3A, %dma_start3A] : memref<32x128xf32, #tpu.memory_space<hbm>> -> memref<1x128xf32, #tpu.memory_space<hbm>>
      %dma_start3A_132 = tpu.memref_squeeze %dma_start3A_131 : memref<1x128xf32, #tpu.memory_space<hbm>> -> memref<128xf32, #tpu.memory_space<hbm>>
      %dma_start3A_133 = arith.constant 0 : i32
      %dma_start3A_134 = tpu.memref_slice %arg4[%add3A, %dma_start3A_133] : memref<32x128xf32, #tpu.memory_space<hbm>> -> memref<1x128xf32, #tpu.memory_space<hbm>>
      %dma_start3A_135 = tpu.memref_squeeze %dma_start3A_134 : memref<1x128xf32, #tpu.memory_space<hbm>> -> memref<128xf32, #tpu.memory_space<hbm>>
      tpu.enqueue_dma source(%dma_start3A_135 : memref<128xf32, #tpu.memory_space<hbm>>) target(%arg9 : memref<128xf32, #tpu.memory_space<vmem>>) target_semaphore(%run_scoped3A : memref<!tpu.dma_semaphore, #tpu.memory_space<semaphore_mem>>)
      %dma_wait3A = arith.constant 0 : i32
      %dma_wait3A_136 = tpu.memref_slice %arg4[%add3A, %dma_wait3A] : memref<32x128xf32, #tpu.memory_space<hbm>> -> memref<1x128xf32, #tpu.memory_space<hbm>>
      %dma_wait3A_137 = tpu.memref_squeeze %dma_wait3A_136 : memref<1x128xf32, #tpu.memory_space<hbm>> -> memref<128xf32, #tpu.memory_space<hbm>>
      %dma_wait3A_138 = arith.constant 0 : i32
      %dma_wait3A_139 = tpu.memref_slice %arg4[%add3A, %dma_wait3A_138] : memref<32x128xf32, #tpu.memory_space<hbm>> -> memref<1x128xf32, #tpu.memory_space<hbm>>
      %dma_wait3A_140 = tpu.memref_squeeze %dma_wait3A_139 : memref<1x128xf32, #tpu.memory_space<hbm>> -> memref<128xf32, #tpu.memory_space<hbm>>
      tpu.wait_dma2 semaphore(%run_scoped3A : memref<!tpu.dma_semaphore, #tpu.memory_space<semaphore_mem>>) src(%dma_wait3A_140 : memref<128xf32, #tpu.memory_space<hbm>>) dst(%arg9 : memref<128xf32, #tpu.memory_space<vmem>>)
      tpu.yield
    }) : () -> ()
    %get3A = arith.constant 0 : index
    %get3A_1 = tpu.vector_load %arg9[%get3A] {strides = array<i32>} : memref<128xf32, #tpu.memory_space<vmem>>, vector<16xf32>,
    %get3A_2 = vector.shape_cast %get3A_1 : vector<16xf32> to vector<16xf32>
    %convert_element_type3A = arith.fptosi %get3A_2 : vector<16xf32> to vector<16xi32>
    %broadcast_in_dim3A = arith.constant 1 : i32
    %broadcast_in_dim3A_3 = vector.broadcast %broadcast_in_dim3A : i32 to vector<16xi32>
    %broadcast_in_dim3A_4 = arith.constant 0 : i32
    %broadcast_in_dim3A_5 = vector.broadcast %broadcast_in_dim3A_4 : i32 to vector<16xi32>
    %broadcast_in_dim3A_6 = arith.constant 0 : i32
    %broadcast_in_dim3A_7 = vector.broadcast %broadcast_in_dim3A_6 : i32 to vector<16xi32>
    %broadcast_in_dim3A_8 = arith.constant 2139095040 : i32
    %broadcast_in_dim3A_9 = vector.broadcast %broadcast_in_dim3A_8 : i32 to vector<16xi32>
    %scan3A = arith.constant 0 : i32
    %scan3A_10 = arith.constant 20 : i32
    %scan3A_11 = arith.addi %scan3A, %scan3A_10 : i32
    %scan3A_12 = arith.constant 1 : i32
    %scan3A_13:2 = scf.for %scan3A_131 = %scan3A to %scan3A_11 step %scan3A_12 iter_args(%scan3A_132 = %broadcast_in_dim3A_7, %scan3A_133 = %broadcast_in_dim3A_9) -> (vector<16xi32>, vector<16xi32>)  : i32 {
      %sub3A = arith.subi %scan3A_133, %scan3A_132 : vector<16xi32>
      %add3A_134 = arith.constant 1 : i32
      %add3A_135 = vector.broadcast %add3A_134 : i32 to vector<16xi32>
      %add3A_136 = arith.addi %sub3A, %add3A_135 : vector<16xi32>
      %shift_right_arithmetic3A = arith.constant 1 : i32
      %shift_right_arithmetic3A_137 = vector.broadcast %shift_right_arithmetic3A : i32 to vector<16xi32>
      %shift_right_arithmetic3A_138 = arith.shrsi %add3A_136, %shift_right_arithmetic3A_137 : vector<16xi32>
      %add3A_139 = arith.addi %scan3A_132, %shift_right_arithmetic3A_138 : vector<16xi32>
      %broadcast_in_dim3A_140 = arith.constant 0 : i32
      %broadcast_in_dim3A_141 = vector.broadcast %broadcast_in_dim3A_140 : i32 to vector<16xi32>
      %scan3A_142 = arith.constant 0 : i32
      %scan3A_143 = arith.constant 1248 : i32
      %scan3A_144 = arith.addi %scan3A_142, %scan3A_143 : i32
      %scan3A_145 = arith.constant 8 : i32
      %scan3A_146 = scf.for %scan3A_233 = %scan3A_142 to %scan3A_144 step %scan3A_145 iter_args(%scan3A_234 = %broadcast_in_dim3A_141) -> (vector<16xi32>)  : i32 {
        %mul3A_235 = arith.constant 16 : i32
        %mul3A_236 = arith.muli %scan3A_233, %mul3A_235 : i32
        %get3A_237 = arith.index_cast %mul3A_236 : i32 to index
        %get3A_238 = tpu.vector_load %arg8[%get3A_237] {strides = array<i32>} : memref<20000xi32, #tpu.memory_space<vmem>>, vector<16xi32>,
        %get3A_239 = vector.shape_cast %get3A_238 : vector<16xi32> to vector<16xi32>
        %ge3A_240 = arith.cmpi sge, %get3A_239, %add3A_139 : vector<16xi32>
        %select_n3A_241 = arith.select %ge3A_240, %broadcast_in_dim3A_3, %broadcast_in_dim3A_5 : vector<16xi1>, vector<16xi32>
        %add3A_242 = arith.addi %scan3A_234, %select_n3A_241 : vector<16xi32>
        %scan3A_243 = arith.constant 1 : i32
        %scan3A_244 = arith.addi %scan3A_233, %scan3A_243 : i32
        %mul3A_245 = arith.constant 16 : i32
        %mul3A_246 = arith.muli %scan3A_244, %mul3A_245 : i32
        %get3A_247 = arith.index_cast %mul3A_246 : i32 to index
        %get3A_248 = tpu.vector_load %arg8[%get3A_247] {strides = array<i32>} : memref<20000xi32, #tpu.memory_space<vmem>>, vector<16xi32>,
        %get3A_249 = vector.shape_cast %get3A_248 : vector<16xi32> to vector<16xi32>
        %ge3A_250 = arith.cmpi sge, %get3A_249, %add3A_139 : vector<16xi32>
        %select_n3A_251 = arith.select %ge3A_250, %broadcast_in_dim3A_3, %broadcast_in_dim3A_5 : vector<16xi1>, vector<16xi32>
        %add3A_252 = arith.addi %add3A_242, %select_n3A_251 : vector<16xi32>
        %scan3A_253 = arith.constant 2 : i32
        %scan3A_254 = arith.addi %scan3A_233, %scan3A_253 : i32
        %mul3A_255 = arith.constant 16 : i32
        %mul3A_256 = arith.muli %scan3A_254, %mul3A_255 : i32
        %get3A_257 = arith.index_cast %mul3A_256 : i32 to index
        %get3A_258 = tpu.vector_load %arg8[%get3A_257] {strides = array<i32>} : memref<20000xi32, #tpu.memory_space<vmem>>, vector<16xi32>,
        %get3A_259 = vector.shape_cast %get3A_258 : vector<16xi32> to vector<16xi32>
        %ge3A_260 = arith.cmpi sge, %get3A_259, %add3A_139 : vector<16xi32>
        %select_n3A_261 = arith.select %ge3A_260, %broadcast_in_dim3A_3, %broadcast_in_dim3A_5 : vector<16xi1>, vector<16xi32>
        %add3A_262 = arith.addi %add3A_252, %select_n3A_261 : vector<16xi32>
        %scan3A_263 = arith.constant 3 : i32
        %scan3A_264 = arith.addi %scan3A_233, %scan3A_263 : i32
        %mul3A_265 = arith.constant 16 : i32
        %mul3A_266 = arith.muli %scan3A_264, %mul3A_265 : i32
        %get3A_267 = arith.index_cast %mul3A_266 : i32 to index
        %get3A_268 = tpu.vector_load %arg8[%get3A_267] {strides = array<i32>} : memref<20000xi32, #tpu.memory_space<vmem>>, vector<16xi32>,
        %get3A_269 = vector.shape_cast %get3A_268 : vector<16xi32> to vector<16xi32>
        %ge3A_270 = arith.cmpi sge, %get3A_269, %add3A_139 : vector<16xi32>
        %select_n3A_271 = arith.select %ge3A_270, %broadcast_in_dim3A_3, %broadcast_in_dim3A_5 : vector<16xi1>, vector<16xi32>
        %add3A_272 = arith.addi %add3A_262, %select_n3A_271 : vector<16xi32>
        %scan3A_273 = arith.constant 4 : i32
        %scan3A_274 = arith.addi %scan3A_233, %scan3A_273 : i32
        %mul3A_275 = arith.constant 16 : i32
        %mul3A_276 = arith.muli %scan3A_274, %mul3A_275 : i32
        %get3A_277 = arith.index_cast %mul3A_276 : i32 to index
        %get3A_278 = tpu.vector_load %arg8[%get3A_277] {strides = array<i32>} : memref<20000xi32, #tpu.memory_space<vmem>>, vector<16xi32>,
        %get3A_279 = vector.shape_cast %get3A_278 : vector<16xi32> to vector<16xi32>
        %ge3A_280 = arith.cmpi sge, %get3A_279, %add3A_139 : vector<16xi32>
        %select_n3A_281 = arith.select %ge3A_280, %broadcast_in_dim3A_3, %broadcast_in_dim3A_5 : vector<16xi1>, vector<16xi32>
        %add3A_282 = arith.addi %add3A_272, %select_n3A_281 : vector<16xi32>
        %scan3A_283 = arith.constant 5 : i32
        %scan3A_284 = arith.addi %scan3A_233, %scan3A_283 : i32
        %mul3A_285 = arith.constant 16 : i32
        %mul3A_286 = arith.muli %scan3A_284, %mul3A_285 : i32
        %get3A_287 = arith.index_cast %mul3A_286 : i32 to index
        %get3A_288 = tpu.vector_load %arg8[%get3A_287] {strides = array<i32>} : memref<20000xi32, #tpu.memory_space<vmem>>, vector<16xi32>,
        %get3A_289 = vector.shape_cast %get3A_288 : vector<16xi32> to vector<16xi32>
        %ge3A_290 = arith.cmpi sge, %get3A_289, %add3A_139 : vector<16xi32>
        %select_n3A_291 = arith.select %ge3A_290, %broadcast_in_dim3A_3, %broadcast_in_dim3A_5 : vector<16xi1>, vector<16xi32>
        %add3A_292 = arith.addi %add3A_282, %select_n3A_291 : vector<16xi32>
        %scan3A_293 = arith.constant 6 : i32
        %scan3A_294 = arith.addi %scan3A_233, %scan3A_293 : i32
        %mul3A_295 = arith.constant 16 : i32
        %mul3A_296 = arith.muli %scan3A_294, %mul3A_295 : i32
        %get3A_297 = arith.index_cast %mul3A_296 : i32 to index
        %get3A_298 = tpu.vector_load %arg8[%get3A_297] {strides = array<i32>} : memref<20000xi32, #tpu.memory_space<vmem>>, vector<16xi32>,
        %get3A_299 = vector.shape_cast %get3A_298 : vector<16xi32> to vector<16xi32>
        %ge3A_300 = arith.cmpi sge, %get3A_299, %add3A_139 : vector<16xi32>
        %select_n3A_301 = arith.select %ge3A_300, %broadcast_in_dim3A_3, %broadcast_in_dim3A_5 : vector<16xi1>, vector<16xi32>
        %add3A_302 = arith.addi %add3A_292, %select_n3A_301 : vector<16xi32>
        %scan3A_303 = arith.constant 7 : i32
        %scan3A_304 = arith.addi %scan3A_233, %scan3A_303 : i32
        %mul3A_305 = arith.constant 16 : i32
        %mul3A_306 = arith.muli %scan3A_304, %mul3A_305 : i32
        %get3A_307 = arith.index_cast %mul3A_306 : i32 to index
        %get3A_308 = tpu.vector_load %arg8[%get3A_307] {strides = array<i32>} : memref<20000xi32, #tpu.memory_space<vmem>>, vector<16xi32>,
        %get3A_309 = vector.shape_cast %get3A_308 : vector<16xi32> to vector<16xi32>
        %ge3A_310 = arith.cmpi sge, %get3A_309, %add3A_139 : vector<16xi32>
        %select_n3A_311 = arith.select %ge3A_310, %broadcast_in_dim3A_3, %broadcast_in_dim3A_5 : vector<16xi1>, vector<16xi32>
        %add3A_312 = arith.addi %add3A_302, %select_n3A_311 : vector<16xi32>
        scf.yield %add3A_312 : vector<16xi32>
      }
      %scan3A_147 = arith.constant 1248 : i32
      %scan3A_148 = arith.addi %scan3A_142, %scan3A_147 : i32
      %mul3A_149 = arith.constant 16 : i32
      %mul3A_150 = arith.muli %scan3A_148, %mul3A_149 : i32
      %get3A_151 = arith.index_cast %mul3A_150 : i32 to index
      %get3A_152 = tpu.vector_load %arg8[%get3A_151] {strides = array<i32>} : memref<20000xi32, #tpu.memory_space<vmem>>, vector<16xi32>,
      %get3A_153 = vector.shape_cast %get3A_152 : vector<16xi32> to vector<16xi32>
      %ge3A = arith.cmpi sge, %get3A_153, %add3A_139 : vector<16xi32>
      %select_n3A_154 = arith.select %ge3A, %broadcast_in_dim3A_3, %broadcast_in_dim3A_5 : vector<16xi1>, vector<16xi32>
      %add3A_155 = arith.addi %scan3A_146, %select_n3A_154 : vector<16xi32>
      %scan3A_156 = arith.constant 1249 : i32
      %scan3A_157 = arith.addi %scan3A_142, %scan3A_156 : i32
      %mul3A_158 = arith.constant 16 : i32
      %mul3A_159 = arith.muli %scan3A_157, %mul3A_158 : i32
      %get3A_160 = arith.index_cast %mul3A_159 : i32 to index
      %get3A_161 = tpu.vector_load %arg8[%get3A_160] {strides = array<i32>} : memref<20000xi32, #tpu.memory_space<vmem>>, vector<16xi32>,
      %get3A_162 = vector.shape_cast %get3A_161 : vector<16xi32> to vector<16xi32>
      %ge3A_163 = arith.cmpi sge, %get3A_162, %add3A_139 : vector<16xi32>
      %select_n3A_164 = arith.select %ge3A_163, %broadcast_in_dim3A_3, %broadcast_in_dim3A_5 : vector<16xi1>, vector<16xi32>
      %add3A_165 = arith.addi %add3A_155, %select_n3A_164 : vector<16xi32>
      %scan3A_166 = arith.constant 1250 : i32
      %swap3A_167 = arith.constant 0 : index
      %swap3A_168 = tpu.vector_load %arg12[%swap3A_167] {strides = array<i32>} : memref<32xi32, #tpu.memory_space<vmem>>, vector<16xi32>,
      %swap3A_169 = vector.shape_cast %swap3A_168 : vector<16xi32> to vector<16xi32>
      %swap3A_170 = vector.shape_cast %add3A_165 : vector<16xi32> to vector<16xi32>
      tpu.vector_store %arg12[%swap3A_167], %swap3A_170 {strides = array<i32>} : memref<32xi32, #tpu.memory_space<vmem>>, vector<16xi32>,
      %swap3A_171 = arith.constant 16 : index
      %swap3A_172 = tpu.vector_load %arg12[%swap3A_171] {strides = array<i32>} : memref<32xi32, #tpu.memory_space<vmem>>, vector<16xi32>,
      %swap3A_173 = vector.shape_cast %swap3A_172 : vector<16xi32> to vector<16xi32>
      %swap3A_174 = vector.shape_cast %add3A_165 : vector<16xi32> to vector<16xi32>
      tpu.vector_store %arg12[%swap3A_171], %swap3A_174 {strides = array<i32>} : memref<32xi32, #tpu.memory_space<vmem>>, vector<16xi32>,
      %get3A_175 = arith.constant 0 : index
      %get3A_176 = tpu.vector_load %arg12[%get3A_175] {strides = array<i32>} : memref<32xi32, #tpu.memory_space<vmem>>, vector<16xi32>,
      %get3A_177 = vector.shape_cast %get3A_176 : vector<16xi32> to vector<16xi32>
      %get3A_178 = arith.constant 8 : index
      %get3A_179 = tpu.vector_load %arg12[%get3A_178] {strides = array<i32>} : memref<32xi32, #tpu.memory_space<vmem>>, vector<16xi32>,
      %get3A_180 = vector.shape_cast %get3A_179 : vector<16xi32> to vector<16xi32>
      %add3A_181 = arith.addi %get3A_177, %get3A_180 : vector<16xi32>
      %swap3A_182 = arith.constant 0 : index
      %swap3A_183 = tpu.vector_load %arg12[%swap3A_182] {strides = array<i32>} : memref<32xi32, #tpu.memory_space<vmem>>, vector<16xi32>,
      %swap3A_184 = vector.shape_cast %swap3A_183 : vector<16xi32> to vector<16xi32>
      %swap3A_185 = vector.shape_cast %add3A_181 : vector<16xi32> to vector<16xi32>
      tpu.vector_store %arg12[%swap3A_182], %swap3A_185 {strides = array<i32>} : memref<32xi32, #tpu.memory_space<vmem>>, vector<16xi32>,
      %swap3A_186 = arith.constant 16 : index
      %swap3A_187 = tpu.vector_load %arg12[%swap3A_186] {strides = array<i32>} : memref<32xi32, #tpu.memory_space<vmem>>, vector<16xi32>,
      %swap3A_188 = vector.shape_cast %swap3A_187 : vector<16xi32> to vector<16xi32>
      %swap3A_189 = vector.shape_cast %add3A_181 : vector<16xi32> to vector<16xi32>
      tpu.vector_store %arg12[%swap3A_186], %swap3A_189 {strides = array<i32>} : memref<32xi32, #tpu.memory_space<vmem>>, vector<16xi32>,
      %get3A_190 = arith.constant 0 : index
      %get3A_191 = tpu.vector_load %arg12[%get3A_190] {strides = array<i32>} : memref<32xi32, #tpu.memory_space<vmem>>, vector<16xi32>,
      %get3A_192 = vector.shape_cast %get3A_191 : vector<16xi32> to vector<16xi32>
      %get3A_193 = arith.constant 4 : index
      %get3A_194 = tpu.vector_load %arg12[%get3A_193] {strides = array<i32>} : memref<32xi32, #tpu.memory_space<vmem>>, vector<16xi32>,
      %get3A_195 = vector.shape_cast %get3A_194 : vector<16xi32> to vector<16xi32>
      %add3A_196 = arith.addi %get3A_192, %get3A_195 : vector<16xi32>
      %swap3A_197 = arith.constant 0 : index
      %swap3A_198 = tpu.vector_load %arg12[%swap3A_197] {strides = array<i32>} : memref<32xi32, #tpu.memory_space<vmem>>, vector<16xi32>,
      %swap3A_199 = vector.shape_cast %swap3A_198 : vector<16xi32> to vector<16xi32>
      %swap3A_200 = vector.shape_cast %add3A_196 : vector<16xi32> to vector<16xi32>
      tpu.vector_store %arg12[%swap3A_197], %swap3A_200 {strides = array<i32>} : memref<32xi32, #tpu.memory_space<vmem>>, vector<16xi32>,
      %swap3A_201 = arith.constant 16 : index
      %swap3A_202 = tpu.vector_load %arg12[%swap3A_201] {strides = array<i32>} : memref<32xi32, #tpu.memory_space<vmem>>, vector<16xi32>,
      %swap3A_203 = vector.shape_cast %swap3A_202 : vector<16xi32> to vector<16xi32>
      %swap3A_204 = vector.shape_cast %add3A_196 : vector<16xi32> to vector<16xi32>
      tpu.vector_store %arg12[%swap3A_201], %swap3A_204 {strides = array<i32>} : memref<32xi32, #tpu.memory_space<vmem>>, vector<16xi32>,
      %get3A_205 = arith.constant 0 : index
      %get3A_206 = tpu.vector_load %arg12[%get3A_205] {strides = array<i32>} : memref<32xi32, #tpu.memory_space<vmem>>, vector<16xi32>,
      %get3A_207 = vector.shape_cast %get3A_206 : vector<16xi32> to vector<16xi32>
      %get3A_208 = arith.constant 2 : index
      %get3A_209 = tpu.vector_load %arg12[%get3A_208] {strides = array<i32>} : memref<32xi32, #tpu.memory_space<vmem>>, vector<16xi32>,
      %get3A_210 = vector.shape_cast %get3A_209 : vector<16xi32> to vector<16xi32>
      %add3A_211 = arith.addi %get3A_207, %get3A_210 : vector<16xi32>
      %swap3A_212 = arith.constant 0 : index
      %swap3A_213 = tpu.vector_load %arg12[%swap3A_212] {strides = array<i32>} : memref<32xi32, #tpu.memory_space<vmem>>, vector<16xi32>,
      %swap3A_214 = vector.shape_cast %swap3A_213 : vector<16xi32> to vector<16xi32>
      %swap3A_215 = vector.shape_cast %add3A_211 : vector<16xi32> to vector<16xi32>
      tpu.vector_store %arg12[%swap3A_212], %swap3A_215 {strides = array<i32>} : memref<32xi32, #tpu.memory_space<vmem>>, vector<16xi32>,
      %swap3A_216 = arith.constant 16 : index
      %swap3A_217 = tpu.vector_load %arg12[%swap3A_216] {strides = array<i32>} : memref<32xi32, #tpu.memory_space<vmem>>, vector<16xi32>,
      %swap3A_218 = vector.shape_cast %swap3A_217 : vector<16xi32> to vector<16xi32>
      %swap3A_219 = vector.shape_cast %add3A_211 : vector<16xi32> to vector<16xi32>
      tpu.vector_store %arg12[%swap3A_216], %swap3A_219 {strides = array<i32>} : memref<32xi32, #tpu.memory_space<vmem>>, vector<16xi32>,
      %get3A_220 = arith.constant 0 : index
      %get3A_221 = tpu.vector_load %arg12[%get3A_220] {strides = array<i32>} : memref<32xi32, #tpu.memory_space<vmem>>, vector<16xi32>,
      %get3A_222 = vector.shape_cast %get3A_221 : vector<16xi32> to vector<16xi32>
      %get3A_223 = arith.constant 1 : index
      %get3A_224 = tpu.vector_load %arg12[%get3A_223] {strides = array<i32>} : memref<32xi32, #tpu.memory_space<vmem>>, vector<16xi32>,
      %get3A_225 = vector.shape_cast %get3A_224 : vector<16xi32> to vector<16xi32>
      %add3A_226 = arith.addi %get3A_222, %get3A_225 : vector<16xi32>
      %ge3A_227 = arith.cmpi sge, %add3A_226, %convert_element_type3A : vector<16xi32>
      %select_n3A_228 = arith.select %ge3A_227, %add3A_139, %scan3A_132 : vector<16xi1>, vector<16xi32>
      %sub3A_229 = arith.constant 1 : i32
      %sub3A_230 = vector.broadcast %sub3A_229 : i32 to vector<16xi32>
      %sub3A_231 = arith.subi %add3A_139, %sub3A_230 : vector<16xi32>
      %select_n3A_232 = arith.select %ge3A_227, %scan3A_133, %sub3A_231 : vector<16xi1>, vector<16xi32>
      scf.yield %select_n3A_228, %select_n3A_232 : vector<16xi32>, vector<16xi32>
    }
    %scan3A_14 = arith.constant 20 : i32
    %broadcast_in_dim3A_15 = arith.constant 0.000000e+00 : f32
    %broadcast_in_dim3A_16 = vector.broadcast %broadcast_in_dim3A_15 : f32 to vector<16xf32>
    %broadcast_in_dim3A_17 = arith.constant 0 : i32
    %broadcast_in_dim3A_18 = vector.broadcast %broadcast_in_dim3A_17 : i32 to vector<16xi32>
    %scan3A_19 = arith.constant 0 : i32
    %scan3A_20 = arith.constant 1248 : i32
    %scan3A_21 = arith.addi %scan3A_19, %scan3A_20 : i32
    %scan3A_22 = arith.constant 8 : i32
    %scan3A_23:2 = scf.for %scan3A_131 = %scan3A_19 to %scan3A_21 step %scan3A_22 iter_args(%scan3A_132 = %broadcast_in_dim3A_16, %scan3A_133 = %broadcast_in_dim3A_18) -> (vector<16xf32>, vector<16xi32>)  : i32 {
      %mul3A_134 = arith.constant 16 : i32
      %mul3A_135 = arith.muli %scan3A_131, %mul3A_134 : i32
      %get3A_136 = arith.index_cast %mul3A_135 : i32 to index
      %get3A_137 = tpu.vector_load %arg8[%get3A_136] {strides = array<i32>} : memref<20000xi32, #tpu.memory_space<vmem>>, vector<16xi32>,
      %get3A_138 = vector.shape_cast %get3A_137 : vector<16xi32> to vector<16xi32>
      %mul3A_139 = arith.constant 16 : i32
      %mul3A_140 = arith.muli %scan3A_131, %mul3A_139 : i32
      %get3A_141 = arith.index_cast %mul3A_140 : i32 to index
      %get3A_142 = tpu.vector_load %arg7[%get3A_141] {strides = array<i32>} : memref<20000xf32, #tpu.memory_space<vmem>>, vector<16xf32>,
      %get3A_143 = vector.shape_cast %get3A_142 : vector<16xf32> to vector<16xf32>
      %gt3A_144 = arith.cmpi sgt, %get3A_138, %scan3A_13#1 : vector<16xi32>
      %broadcast_in_dim3A_145 = arith.constant 0.000000e+00 : f32
      %broadcast_in_dim3A_146 = vector.broadcast %broadcast_in_dim3A_145 : f32 to vector<16xf32>
      %select_n3A_147 = arith.select %gt3A_144, %get3A_143, %broadcast_in_dim3A_146 : vector<16xi1>, vector<16xf32>
      %add3A_148 = arith.addf %scan3A_132, %select_n3A_147 : vector<16xf32>
      %select_n3A_149 = arith.select %gt3A_144, %broadcast_in_dim3A_3, %broadcast_in_dim3A_5 : vector<16xi1>, vector<16xi32>
      %add3A_150 = arith.addi %scan3A_133, %select_n3A_149 : vector<16xi32>
      %scan3A_151 = arith.constant 1 : i32
      %scan3A_152 = arith.addi %scan3A_131, %scan3A_151 : i32
      %mul3A_153 = arith.constant 16 : i32
      %mul3A_154 = arith.muli %scan3A_152, %mul3A_153 : i32
      %get3A_155 = arith.index_cast %mul3A_154 : i32 to index
      %get3A_156 = tpu.vector_load %arg8[%get3A_155] {strides = array<i32>} : memref<20000xi32, #tpu.memory_space<vmem>>, vector<16xi32>,
      %get3A_157 = vector.shape_cast %get3A_156 : vector<16xi32> to vector<16xi32>
      %mul3A_158 = arith.constant 16 : i32
      %mul3A_159 = arith.muli %scan3A_152, %mul3A_158 : i32
      %get3A_160 = arith.index_cast %mul3A_159 : i32 to index
      %get3A_161 = tpu.vector_load %arg7[%get3A_160] {strides = array<i32>} : memref<20000xf32, #tpu.memory_space<vmem>>, vector<16xf32>,
      %get3A_162 = vector.shape_cast %get3A_161 : vector<16xf32> to vector<16xf32>
      %gt3A_163 = arith.cmpi sgt, %get3A_157, %scan3A_13#1 : vector<16xi32>
      %broadcast_in_dim3A_164 = arith.constant 0.000000e+00 : f32
      %broadcast_in_dim3A_165 = vector.broadcast %broadcast_in_dim3A_164 : f32 to vector<16xf32>
      %select_n3A_166 = arith.select %gt3A_163, %get3A_162, %broadcast_in_dim3A_165 : vector<16xi1>, vector<16xf32>
      %add3A_167 = arith.addf %add3A_148, %select_n3A_166 : vector<16xf32>
      %select_n3A_168 = arith.select %gt3A_163, %broadcast_in_dim3A_3, %broadcast_in_dim3A_5 : vector<16xi1>, vector<16xi32>
      %add3A_169 = arith.addi %add3A_150, %select_n3A_168 : vector<16xi32>
      %scan3A_170 = arith.constant 2 : i32
      %scan3A_171 = arith.addi %scan3A_131, %scan3A_170 : i32
      %mul3A_172 = arith.constant 16 : i32
      %mul3A_173 = arith.muli %scan3A_171, %mul3A_172 : i32
      %get3A_174 = arith.index_cast %mul3A_173 : i32 to index
      %get3A_175 = tpu.vector_load %arg8[%get3A_174] {strides = array<i32>} : memref<20000xi32, #tpu.memory_space<vmem>>, vector<16xi32>,
      %get3A_176 = vector.shape_cast %get3A_175 : vector<16xi32> to vector<16xi32>
      %mul3A_177 = arith.constant 16 : i32
      %mul3A_178 = arith.muli %scan3A_171, %mul3A_177 : i32
      %get3A_179 = arith.index_cast %mul3A_178 : i32 to index
      %get3A_180 = tpu.vector_load %arg7[%get3A_179] {strides = array<i32>} : memref<20000xf32, #tpu.memory_space<vmem>>, vector<16xf32>,
      %get3A_181 = vector.shape_cast %get3A_180 : vector<16xf32> to vector<16xf32>
      %gt3A_182 = arith.cmpi sgt, %get3A_176, %scan3A_13#1 : vector<16xi32>
      %broadcast_in_dim3A_183 = arith.constant 0.000000e+00 : f32
      %broadcast_in_dim3A_184 = vector.broadcast %broadcast_in_dim3A_183 : f32 to vector<16xf32>
      %select_n3A_185 = arith.select %gt3A_182, %get3A_181, %broadcast_in_dim3A_184 : vector<16xi1>, vector<16xf32>
      %add3A_186 = arith.addf %add3A_167, %select_n3A_185 : vector<16xf32>
      %select_n3A_187 = arith.select %gt3A_182, %broadcast_in_dim3A_3, %broadcast_in_dim3A_5 : vector<16xi1>, vector<16xi32>
      %add3A_188 = arith.addi %add3A_169, %select_n3A_187 : vector<16xi32>
      %scan3A_189 = arith.constant 3 : i32
      %scan3A_190 = arith.addi %scan3A_131, %scan3A_189 : i32
      %mul3A_191 = arith.constant 16 : i32
      %mul3A_192 = arith.muli %scan3A_190, %mul3A_191 : i32
      %get3A_193 = arith.index_cast %mul3A_192 : i32 to index
      %get3A_194 = tpu.vector_load %arg8[%get3A_193] {strides = array<i32>} : memref<20000xi32, #tpu.memory_space<vmem>>, vector<16xi32>,
      %get3A_195 = vector.shape_cast %get3A_194 : vector<16xi32> to vector<16xi32>
      %mul3A_196 = arith.constant 16 : i32
      %mul3A_197 = arith.muli %scan3A_190, %mul3A_196 : i32
      %get3A_198 = arith.index_cast %mul3A_197 : i32 to index
      %get3A_199 = tpu.vector_load %arg7[%get3A_198] {strides = array<i32>} : memref<20000xf32, #tpu.memory_space<vmem>>, vector<16xf32>,
      %get3A_200 = vector.shape_cast %get3A_199 : vector<16xf32> to vector<16xf32>
      %gt3A_201 = arith.cmpi sgt, %get3A_195, %scan3A_13#1 : vector<16xi32>
      %broadcast_in_dim3A_202 = arith.constant 0.000000e+00 : f32
      %broadcast_in_dim3A_203 = vector.broadcast %broadcast_in_dim3A_202 : f32 to vector<16xf32>
      %select_n3A_204 = arith.select %gt3A_201, %get3A_200, %broadcast_in_dim3A_203 : vector<16xi1>, vector<16xf32>
      %add3A_205 = arith.addf %add3A_186, %select_n3A_204 : vector<16xf32>
      %select_n3A_206 = arith.select %gt3A_201, %broadcast_in_dim3A_3, %broadcast_in_dim3A_5 : vector<16xi1>, vector<16xi32>
      %add3A_207 = arith.addi %add3A_188, %select_n3A_206 : vector<16xi32>
      %scan3A_208 = arith.constant 4 : i32
      %scan3A_209 = arith.addi %scan3A_131, %scan3A_208 : i32
      %mul3A_210 = arith.constant 16 : i32
      %mul3A_211 = arith.muli %scan3A_209, %mul3A_210 : i32
      %get3A_212 = arith.index_cast %mul3A_211 : i32 to index
      %get3A_213 = tpu.vector_load %arg8[%get3A_212] {strides = array<i32>} : memref<20000xi32, #tpu.memory_space<vmem>>, vector<16xi32>,
      %get3A_214 = vector.shape_cast %get3A_213 : vector<16xi32> to vector<16xi32>
      %mul3A_215 = arith.constant 16 : i32
      %mul3A_216 = arith.muli %scan3A_209, %mul3A_215 : i32
      %get3A_217 = arith.index_cast %mul3A_216 : i32 to index
      %get3A_218 = tpu.vector_load %arg7[%get3A_217] {strides = array<i32>} : memref<20000xf32, #tpu.memory_space<vmem>>, vector<16xf32>,
      %get3A_219 = vector.shape_cast %get3A_218 : vector<16xf32> to vector<16xf32>
      %gt3A_220 = arith.cmpi sgt, %get3A_214, %scan3A_13#1 : vector<16xi32>
      %broadcast_in_dim3A_221 = arith.constant 0.000000e+00 : f32
      %broadcast_in_dim3A_222 = vector.broadcast %broadcast_in_dim3A_221 : f32 to vector<16xf32>
      %select_n3A_223 = arith.select %gt3A_220, %get3A_219, %broadcast_in_dim3A_222 : vector<16xi1>, vector<16xf32>
      %add3A_224 = arith.addf %add3A_205, %select_n3A_223 : vector<16xf32>
      %select_n3A_225 = arith.select %gt3A_220, %broadcast_in_dim3A_3, %broadcast_in_dim3A_5 : vector<16xi1>, vector<16xi32>
      %add3A_226 = arith.addi %add3A_207, %select_n3A_225 : vector<16xi32>
      %scan3A_227 = arith.constant 5 : i32
      %scan3A_228 = arith.addi %scan3A_131, %scan3A_227 : i32
      %mul3A_229 = arith.constant 16 : i32
      %mul3A_230 = arith.muli %scan3A_228, %mul3A_229 : i32
      %get3A_231 = arith.index_cast %mul3A_230 : i32 to index
      %get3A_232 = tpu.vector_load %arg8[%get3A_231] {strides = array<i32>} : memref<20000xi32, #tpu.memory_space<vmem>>, vector<16xi32>,
      %get3A_233 = vector.shape_cast %get3A_232 : vector<16xi32> to vector<16xi32>
      %mul3A_234 = arith.constant 16 : i32
      %mul3A_235 = arith.muli %scan3A_228, %mul3A_234 : i32
      %get3A_236 = arith.index_cast %mul3A_235 : i32 to index
      %get3A_237 = tpu.vector_load %arg7[%get3A_236] {strides = array<i32>} : memref<20000xf32, #tpu.memory_space<vmem>>, vector<16xf32>,
      %get3A_238 = vector.shape_cast %get3A_237 : vector<16xf32> to vector<16xf32>
      %gt3A_239 = arith.cmpi sgt, %get3A_233, %scan3A_13#1 : vector<16xi32>
      %broadcast_in_dim3A_240 = arith.constant 0.000000e+00 : f32
      %broadcast_in_dim3A_241 = vector.broadcast %broadcast_in_dim3A_240 : f32 to vector<16xf32>
      %select_n3A_242 = arith.select %gt3A_239, %get3A_238, %broadcast_in_dim3A_241 : vector<16xi1>, vector<16xf32>
      %add3A_243 = arith.addf %add3A_224, %select_n3A_242 : vector<16xf32>
      %select_n3A_244 = arith.select %gt3A_239, %broadcast_in_dim3A_3, %broadcast_in_dim3A_5 : vector<16xi1>, vector<16xi32>
      %add3A_245 = arith.addi %add3A_226, %select_n3A_244 : vector<16xi32>
      %scan3A_246 = arith.constant 6 : i32
      %scan3A_247 = arith.addi %scan3A_131, %scan3A_246 : i32
      %mul3A_248 = arith.constant 16 : i32
      %mul3A_249 = arith.muli %scan3A_247, %mul3A_248 : i32
      %get3A_250 = arith.index_cast %mul3A_249 : i32 to index
      %get3A_251 = tpu.vector_load %arg8[%get3A_250] {strides = array<i32>} : memref<20000xi32, #tpu.memory_space<vmem>>, vector<16xi32>,
      %get3A_252 = vector.shape_cast %get3A_251 : vector<16xi32> to vector<16xi32>
      %mul3A_253 = arith.constant 16 : i32
      %mul3A_254 = arith.muli %scan3A_247, %mul3A_253 : i32
      %get3A_255 = arith.index_cast %mul3A_254 : i32 to index
      %get3A_256 = tpu.vector_load %arg7[%get3A_255] {strides = array<i32>} : memref<20000xf32, #tpu.memory_space<vmem>>, vector<16xf32>,
      %get3A_257 = vector.shape_cast %get3A_256 : vector<16xf32> to vector<16xf32>
      %gt3A_258 = arith.cmpi sgt, %get3A_252, %scan3A_13#1 : vector<16xi32>
      %broadcast_in_dim3A_259 = arith.constant 0.000000e+00 : f32
      %broadcast_in_dim3A_260 = vector.broadcast %broadcast_in_dim3A_259 : f32 to vector<16xf32>
      %select_n3A_261 = arith.select %gt3A_258, %get3A_257, %broadcast_in_dim3A_260 : vector<16xi1>, vector<16xf32>
      %add3A_262 = arith.addf %add3A_243, %select_n3A_261 : vector<16xf32>
      %select_n3A_263 = arith.select %gt3A_258, %broadcast_in_dim3A_3, %broadcast_in_dim3A_5 : vector<16xi1>, vector<16xi32>
      %add3A_264 = arith.addi %add3A_245, %select_n3A_263 : vector<16xi32>
      %scan3A_265 = arith.constant 7 : i32
      %scan3A_266 = arith.addi %scan3A_131, %scan3A_265 : i32
      %mul3A_267 = arith.constant 16 : i32
      %mul3A_268 = arith.muli %scan3A_266, %mul3A_267 : i32
      %get3A_269 = arith.index_cast %mul3A_268 : i32 to index
      %get3A_270 = tpu.vector_load %arg8[%get3A_269] {strides = array<i32>} : memref<20000xi32, #tpu.memory_space<vmem>>, vector<16xi32>,
      %get3A_271 = vector.shape_cast %get3A_270 : vector<16xi32> to vector<16xi32>
      %mul3A_272 = arith.constant 16 : i32
      %mul3A_273 = arith.muli %scan3A_266, %mul3A_272 : i32
      %get3A_274 = arith.index_cast %mul3A_273 : i32 to index
      %get3A_275 = tpu.vector_load %arg7[%get3A_274] {strides = array<i32>} : memref<20000xf32, #tpu.memory_space<vmem>>, vector<16xf32>,
      %get3A_276 = vector.shape_cast %get3A_275 : vector<16xf32> to vector<16xf32>
      %gt3A_277 = arith.cmpi sgt, %get3A_271, %scan3A_13#1 : vector<16xi32>
      %broadcast_in_dim3A_278 = arith.constant 0.000000e+00 : f32
      %broadcast_in_dim3A_279 = vector.broadcast %broadcast_in_dim3A_278 : f32 to vector<16xf32>
      %select_n3A_280 = arith.select %gt3A_277, %get3A_276, %broadcast_in_dim3A_279 : vector<16xi1>, vector<16xf32>
      %add3A_281 = arith.addf %add3A_262, %select_n3A_280 : vector<16xf32>
      %select_n3A_282 = arith.select %gt3A_277, %broadcast_in_dim3A_3, %broadcast_in_dim3A_5 : vector<16xi1>, vector<16xi32>
      %add3A_283 = arith.addi %add3A_264, %select_n3A_282 : vector<16xi32>
      scf.yield %add3A_281, %add3A_283 : vector<16xf32>, vector<16xi32>
    }
    %scan3A_24 = arith.constant 1248 : i32
    %scan3A_25 = arith.addi %scan3A_19, %scan3A_24 : i32
    %mul3A_26 = arith.constant 16 : i32
    %mul3A_27 = arith.muli %scan3A_25, %mul3A_26 : i32
    %get3A_28 = arith.index_cast %mul3A_27 : i32 to index
    %get3A_29 = tpu.vector_load %arg8[%get3A_28] {strides = array<i32>} : memref<20000xi32, #tpu.memory_space<vmem>>, vector<16xi32>,
    %get3A_30 = vector.shape_cast %get3A_29 : vector<16xi32> to vector<16xi32>
    %mul3A_31 = arith.constant 16 : i32
    %mul3A_32 = arith.muli %scan3A_25, %mul3A_31 : i32
    %get3A_33 = arith.index_cast %mul3A_32 : i32 to index
    %get3A_34 = tpu.vector_load %arg7[%get3A_33] {strides = array<i32>} : memref<20000xf32, #tpu.memory_space<vmem>>, vector<16xf32>,
    %get3A_35 = vector.shape_cast %get3A_34 : vector<16xf32> to vector<16xf32>
    %gt3A = arith.cmpi sgt, %get3A_30, %scan3A_13#1 : vector<16xi32>
    %broadcast_in_dim3A_36 = arith.constant 0.000000e+00 : f32
    %broadcast_in_dim3A_37 = vector.broadcast %broadcast_in_dim3A_36 : f32 to vector<16xf32>
    %select_n3A = arith.select %gt3A, %get3A_35, %broadcast_in_dim3A_37 : vector<16xi1>, vector<16xf32>
    %add3A_38 = arith.addf %scan3A_23#0, %select_n3A : vector<16xf32>
    %select_n3A_39 = arith.select %gt3A, %broadcast_in_dim3A_3, %broadcast_in_dim3A_5 : vector<16xi1>, vector<16xi32>
    %add3A_40 = arith.addi %scan3A_23#1, %select_n3A_39 : vector<16xi32>
    %scan3A_41 = arith.constant 1249 : i32
    %scan3A_42 = arith.addi %scan3A_19, %scan3A_41 : i32
    %mul3A_43 = arith.constant 16 : i32
    %mul3A_44 = arith.muli %scan3A_42, %mul3A_43 : i32
    %get3A_45 = arith.index_cast %mul3A_44 : i32 to index
    %get3A_46 = tpu.vector_load %arg8[%get3A_45] {strides = array<i32>} : memref<20000xi32, #tpu.memory_space<vmem>>, vector<16xi32>,
    %get3A_47 = vector.shape_cast %get3A_46 : vector<16xi32> to vector<16xi32>
    %mul3A_48 = arith.constant 16 : i32
    %mul3A_49 = arith.muli %scan3A_42, %mul3A_48 : i32
    %get3A_50 = arith.index_cast %mul3A_49 : i32 to index
    %get3A_51 = tpu.vector_load %arg7[%get3A_50] {strides = array<i32>} : memref<20000xf32, #tpu.memory_space<vmem>>, vector<16xf32>,
    %get3A_52 = vector.shape_cast %get3A_51 : vector<16xf32> to vector<16xf32>
    %gt3A_53 = arith.cmpi sgt, %get3A_47, %scan3A_13#1 : vector<16xi32>
    %broadcast_in_dim3A_54 = arith.constant 0.000000e+00 : f32
    %broadcast_in_dim3A_55 = vector.broadcast %broadcast_in_dim3A_54 : f32 to vector<16xf32>
    %select_n3A_56 = arith.select %gt3A_53, %get3A_52, %broadcast_in_dim3A_55 : vector<16xi1>, vector<16xf32>
    %add3A_57 = arith.addf %add3A_38, %select_n3A_56 : vector<16xf32>
    %select_n3A_58 = arith.select %gt3A_53, %broadcast_in_dim3A_3, %broadcast_in_dim3A_5 : vector<16xi1>, vector<16xi32>
    %add3A_59 = arith.addi %add3A_40, %select_n3A_58 : vector<16xi32>
    %scan3A_60 = arith.constant 1250 : i32
    %swap3A = arith.constant 0 : index
    %swap3A_61 = tpu.vector_load %arg12[%swap3A] {strides = array<i32>} : memref<32xi32, #tpu.memory_space<vmem>>, vector<16xi32>,
    %swap3A_62 = vector.shape_cast %swap3A_61 : vector<16xi32> to vector<16xi32>
    %swap3A_63 = vector.shape_cast %add3A_59 : vector<16xi32> to vector<16xi32>
    tpu.vector_store %arg12[%swap3A], %swap3A_63 {strides = array<i32>} : memref<32xi32, #tpu.memory_space<vmem>>, vector<16xi32>,
    %swap3A_64 = arith.constant 16 : index
    %swap3A_65 = tpu.vector_load %arg12[%swap3A_64] {strides = array<i32>} : memref<32xi32, #tpu.memory_space<vmem>>, vector<16xi32>,
    %swap3A_66 = vector.shape_cast %swap3A_65 : vector<16xi32> to vector<16xi32>
    %swap3A_67 = vector.shape_cast %add3A_59 : vector<16xi32> to vector<16xi32>
    tpu.vector_store %arg12[%swap3A_64], %swap3A_67 {strides = array<i32>} : memref<32xi32, #tpu.memory_space<vmem>>, vector<16xi32>,
    %get3A_68 = arith.constant 0 : index
    %get3A_69 = tpu.vector_load %arg12[%get3A_68] {strides = array<i32>} : memref<32xi32, #tpu.memory_space<vmem>>, vector<16xi32>,
    %get3A_70 = vector.shape_cast %get3A_69 : vector<16xi32> to vector<16xi32>
    %get3A_71 = arith.constant 8 : index
    %get3A_72 = tpu.vector_load %arg12[%get3A_71] {strides = array<i32>} : memref<32xi32, #tpu.memory_space<vmem>>, vector<16xi32>,
    %get3A_73 = vector.shape_cast %get3A_72 : vector<16xi32> to vector<16xi32>
    %add3A_74 = arith.addi %get3A_70, %get3A_73 : vector<16xi32>
    %swap3A_75 = arith.constant 0 : index
    %swap3A_76 = tpu.vector_load %arg12[%swap3A_75] {strides = array<i32>} : memref<32xi32, #tpu.memory_space<vmem>>, vector<16xi32>,
    %swap3A_77 = vector.shape_cast %swap3A_76 : vector<16xi32> to vector<16xi32>
    %swap3A_78 = vector.shape_cast %add3A_74 : vector<16xi32> to vector<16xi32>
    tpu.vector_store %arg12[%swap3A_75], %swap3A_78 {strides = array<i32>} : memref<32xi32, #tpu.memory_space<vmem>>, vector<16xi32>,
    %swap3A_79 = arith.constant 16 : index
    %swap3A_80 = tpu.vector_load %arg12[%swap3A_79] {strides = array<i32>} : memref<32xi32, #tpu.memory_space<vmem>>, vector<16xi32>,
    %swap3A_81 = vector.shape_cast %swap3A_80 : vector<16xi32> to vector<16xi32>
    %swap3A_82 = vector.shape_cast %add3A_74 : vector<16xi32> to vector<16xi32>
    tpu.vector_store %arg12[%swap3A_79], %swap3A_82 {strides = array<i32>} : memref<32xi32, #tpu.memory_space<vmem>>, vector<16xi32>,
    %get3A_83 = arith.constant 0 : index
    %get3A_84 = tpu.vector_load %arg12[%get3A_83] {strides = array<i32>} : memref<32xi32, #tpu.memory_space<vmem>>, vector<16xi32>,
    %get3A_85 = vector.shape_cast %get3A_84 : vector<16xi32> to vector<16xi32>
    %get3A_86 = arith.constant 4 : index
    %get3A_87 = tpu.vector_load %arg12[%get3A_86] {strides = array<i32>} : memref<32xi32, #tpu.memory_space<vmem>>, vector<16xi32>,
    %get3A_88 = vector.shape_cast %get3A_87 : vector<16xi32> to vector<16xi32>
    %add3A_89 = arith.addi %get3A_85, %get3A_88 : vector<16xi32>
    %swap3A_90 = arith.constant 0 : index
    %swap3A_91 = tpu.vector_load %arg12[%swap3A_90] {strides = array<i32>} : memref<32xi32, #tpu.memory_space<vmem>>, vector<16xi32>,
    %swap3A_92 = vector.shape_cast %swap3A_91 : vector<16xi32> to vector<16xi32>
    %swap3A_93 = vector.shape_cast %add3A_89 : vector<16xi32> to vector<16xi32>
    tpu.vector_store %arg12[%swap3A_90], %swap3A_93 {strides = array<i32>} : memref<32xi32, #tpu.memory_space<vmem>>, vector<16xi32>,
    %swap3A_94 = arith.constant 16 : index
    %swap3A_95 = tpu.vector_load %arg12[%swap3A_94] {strides = array<i32>} : memref<32xi32, #tpu.memory_space<vmem>>, vector<16xi32>,
    %swap3A_96 = vector.shape_cast %swap3A_95 : vector<16xi32> to vector<16xi32>
    %swap3A_97 = vector.shape_cast %add3A_89 : vector<16xi32> to vector<16xi32>
    tpu.vector_store %arg12[%swap3A_94], %swap3A_97 {strides = array<i32>} : memref<32xi32, #tpu.memory_space<vmem>>, vector<16xi32>,
    %get3A_98 = arith.constant 0 : index
    %get3A_99 = tpu.vector_load %arg12[%get3A_98] {strides = array<i32>} : memref<32xi32, #tpu.memory_space<vmem>>, vector<16xi32>,
    %get3A_100 = vector.shape_cast %get3A_99 : vector<16xi32> to vector<16xi32>
    %get3A_101 = arith.constant 2 : index
    %get3A_102 = tpu.vector_load %arg12[%get3A_101] {strides = array<i32>} : memref<32xi32, #tpu.memory_space<vmem>>, vector<16xi32>,
    %get3A_103 = vector.shape_cast %get3A_102 : vector<16xi32> to vector<16xi32>
    %add3A_104 = arith.addi %get3A_100, %get3A_103 : vector<16xi32>
    %swap3A_105 = arith.constant 0 : index
    %swap3A_106 = tpu.vector_load %arg12[%swap3A_105] {strides = array<i32>} : memref<32xi32, #tpu.memory_space<vmem>>, vector<16xi32>,
    %swap3A_107 = vector.shape_cast %swap3A_106 : vector<16xi32> to vector<16xi32>
    %swap3A_108 = vector.shape_cast %add3A_104 : vector<16xi32> to vector<16xi32>
    tpu.vector_store %arg12[%swap3A_105], %swap3A_108 {strides = array<i32>} : memref<32xi32, #tpu.memory_space<vmem>>, vector<16xi32>,
    %swap3A_109 = arith.constant 16 : index
    %swap3A_110 = tpu.vector_load %arg12[%swap3A_109] {strides = array<i32>} : memref<32xi32, #tpu.memory_space<vmem>>, vector<16xi32>,
    %swap3A_111 = vector.shape_cast %swap3A_110 : vector<16xi32> to vector<16xi32>
    %swap3A_112 = vector.shape_cast %add3A_104 : vector<16xi32> to vector<16xi32>
    tpu.vector_store %arg12[%swap3A_109], %swap3A_112 {strides = array<i32>} : memref<32xi32, #tpu.memory_space<vmem>>, vector<16xi32>,
    %get3A_113 = arith.constant 0 : index
    %get3A_114 = tpu.vector_load %arg12[%get3A_113] {strides = array<i32>} : memref<32xi32, #tpu.memory_space<vmem>>, vector<16xi32>,
    %get3A_115 = vector.shape_cast %get3A_114 : vector<16xi32> to vector<16xi32>
    %get3A_116 = arith.constant 1 : index
    %get3A_117 = tpu.vector_load %arg12[%get3A_116] {strides = array<i32>} : memref<32xi32, #tpu.memory_space<vmem>>, vector<16xi32>,
    %get3A_118 = vector.shape_cast %get3A_117 : vector<16xi32> to vector<16xi32>
    %add3A_119 = arith.addi %get3A_115, %get3A_118 : vector<16xi32>
    %iota3A = tpu.iota {dimensions = array<i32: 0>} : vector<16xi32>
    %swap3A_120 = arith.constant 0 : index
    %swap3A_121 = tpu.vector_load %arg10[%swap3A_120] {strides = array<i32>} : memref<16xf32, #tpu.memory_space<vmem>>, vector<16xf32>,
    %swap3A_122 = vector.shape_cast %swap3A_121 : vector<16xf32> to vector<16xf32>
    %swap3A_123 = vector.shape_cast %add3A_57 : vector<16xf32> to vector<16xf32>
    tpu.vector_store %arg10[%swap3A_120], %swap3A_123 {strides = array<i32>} : memref<16xf32, #tpu.memory_space<vmem>>, vector<16xf32>,
    %eq3A = arith.constant 0 : i32
    %eq3A_124 = vector.broadcast %eq3A : i32 to vector<16xi32>
    %eq3A_125 = arith.cmpi eq, %iota3A, %eq3A_124 : vector<16xi32>
    %select_n3A_126 = arith.select %eq3A_125, %scan3A_13#1, %add3A_119 : vector<16xi1>, vector<16xi32>
    %swap3A_127 = arith.constant 0 : index
    %swap3A_128 = tpu.vector_load %arg11[%swap3A_127] {strides = array<i32>} : memref<16xi32, #tpu.memory_space<vmem>>, vector<16xi32>,
    %swap3A_129 = vector.shape_cast %swap3A_128 : vector<16xi32> to vector<16xi32>
    %swap3A_130 = vector.shape_cast %select_n3A_126 : vector<16xi32> to vector<16xi32>
    tpu.vector_store %arg11[%swap3A_127], %swap3A_130 {strides = array<i32>} : memref<16xi32, #tpu.memory_space<vmem>>, vector<16xi32>,
    "tpu.region"() ({
      %run_scoped3A = tpu.sem_alloc : memref<!tpu.dma_semaphore, #tpu.memory_space<semaphore_mem>>
      %dma_start3A = arith.constant 0 : i32
      %dma_start3A_131 = tpu.memref_slice %arg5[%add3A, %dma_start3A] : memref<32x16xf32, #tpu.memory_space<hbm>> -> memref<1x16xf32, #tpu.memory_space<hbm>>
      %dma_start3A_132 = tpu.memref_squeeze %dma_start3A_131 : memref<1x16xf32, #tpu.memory_space<hbm>> -> memref<16xf32, #tpu.memory_space<hbm>>
      %dma_start3A_133 = arith.constant 0 : i32
      %dma_start3A_134 = tpu.memref_slice %arg5[%add3A, %dma_start3A_133] : memref<32x16xf32, #tpu.memory_space<hbm>> -> memref<1x16xf32, #tpu.memory_space<hbm>>
      %dma_start3A_135 = tpu.memref_squeeze %dma_start3A_134 : memref<1x16xf32, #tpu.memory_space<hbm>> -> memref<16xf32, #tpu.memory_space<hbm>>
      tpu.enqueue_dma source(%arg10 : memref<16xf32, #tpu.memory_space<vmem>>) target(%dma_start3A_135 : memref<16xf32, #tpu.memory_space<hbm>>) target_semaphore(%run_scoped3A : memref<!tpu.dma_semaphore, #tpu.memory_space<semaphore_mem>>)
      %dma_wait3A = arith.constant 0 : i32
      %dma_wait3A_136 = tpu.memref_slice %arg5[%add3A, %dma_wait3A] : memref<32x16xf32, #tpu.memory_space<hbm>> -> memref<1x16xf32, #tpu.memory_space<hbm>>
      %dma_wait3A_137 = tpu.memref_squeeze %dma_wait3A_136 : memref<1x16xf32, #tpu.memory_space<hbm>> -> memref<16xf32, #tpu.memory_space<hbm>>
      %dma_wait3A_138 = arith.constant 0 : i32
      %dma_wait3A_139 = tpu.memref_slice %arg5[%add3A, %dma_wait3A_138] : memref<32x16xf32, #tpu.memory_space<hbm>> -> memref<1x16xf32, #tpu.memory_space<hbm>>
      %dma_wait3A_140 = tpu.memref_squeeze %dma_wait3A_139 : memref<1x16xf32, #tpu.memory_space<hbm>> -> memref<16xf32, #tpu.memory_space<hbm>>
      tpu.wait_dma2 semaphore(%run_scoped3A : memref<!tpu.dma_semaphore, #tpu.memory_space<semaphore_mem>>) src(%arg10 : memref<16xf32, #tpu.memory_space<vmem>>) dst(%dma_wait3A_140 : memref<16xf32, #tpu.memory_space<hbm>>)
      tpu.yield
    }) : () -> ()
    "tpu.region"() ({
      %run_scoped3A = tpu.sem_alloc : memref<!tpu.dma_semaphore, #tpu.memory_space<semaphore_mem>>
      %dma_start3A = arith.constant 0 : i32
      %dma_start3A_131 = tpu.memref_slice %arg6[%add3A, %dma_start3A] : memref<32x16xi32, #tpu.memory_space<hbm>> -> memref<1x16xi32, #tpu.memory_space<hbm>>
      %dma_start3A_132 = tpu.memref_squeeze %dma_start3A_131 : memref<1x16xi32, #tpu.memory_space<hbm>> -> memref<16xi32, #tpu.memory_space<hbm>>
      %dma_start3A_133 = arith.constant 0 : i32
      %dma_start3A_134 = tpu.memref_slice %arg6[%add3A, %dma_start3A_133] : memref<32x16xi32, #tpu.memory_space<hbm>> -> memref<1x16xi32, #tpu.memory_space<hbm>>
      %dma_start3A_135 = tpu.memref_squeeze %dma_start3A_134 : memref<1x16xi32, #tpu.memory_space<hbm>> -> memref<16xi32, #tpu.memory_space<hbm>>
      tpu.enqueue_dma source(%arg11 : memref<16xi32, #tpu.memory_space<vmem>>) target(%dma_start3A_135 : memref<16xi32, #tpu.memory_space<hbm>>) target_semaphore(%run_scoped3A : memref<!tpu.dma_semaphore, #tpu.memory_space<semaphore_mem>>)
      %dma_wait3A = arith.constant 0 : i32
      %dma_wait3A_136 = tpu.memref_slice %arg6[%add3A, %dma_wait3A] : memref<32x16xi32, #tpu.memory_space<hbm>> -> memref<1x16xi32, #tpu.memory_space<hbm>>
      %dma_wait3A_137 = tpu.memref_squeeze %dma_wait3A_136 : memref<1x16xi32, #tpu.memory_space<hbm>> -> memref<16xi32, #tpu.memory_space<hbm>>
      %dma_wait3A_138 = arith.constant 0 : i32
      %dma_wait3A_139 = tpu.memref_slice %arg6[%add3A, %dma_wait3A_138] : memref<32x16xi32, #tpu.memory_space<hbm>> -> memref<1x16xi32, #tpu.memory_space<hbm>>
      %dma_wait3A_140 = tpu.memref_squeeze %dma_wait3A_139 : memref<1x16xi32, #tpu.memory_space<hbm>> -> memref<16xi32, #tpu.memory_space<hbm>>
      tpu.wait_dma2 semaphore(%run_scoped3A : memref<!tpu.dma_semaphore, #tpu.memory_space<semaphore_mem>>) src(%arg11 : memref<16xi32, #tpu.memory_space<vmem>>) dst(%dma_wait3A_140 : memref<16xi32, #tpu.memory_space<hbm>>)
      tpu.yield
    }) : () -> ()
    return
  }
}

module attributes {stable_mosaic.version = 14 : i64} {
  func.func @_tc_body(%arg0: i32, %arg1: memref<21x32x2048xf32, #tpu.memory_space<vmem>>, %arg2: memref<32x2048xi32, #tpu.memory_space<vmem>>, %arg3: memref<32x4x2048xf32, #tpu.memory_space<vmem>>, %arg4: memref<32x4x2048xf32, #tpu.memory_space<vmem>>, %arg5: memref<32x2048xf32, #tpu.memory_space<vmem>>, %arg6: memref<32x2048xi32, #tpu.memory_space<vmem>>, %arg7: memref<32x128xf32, #tpu.memory_space<vmem>>, %arg8: memref<32x128xf32, #tpu.memory_space<vmem>>) attributes {dimension_semantics = [#tpu.dimension_semantics<arbitrary>], iteration_bounds = array<i64: 10>, scalar_prefetch = 0 : i64, scratch_operands = 0 : i64, tpu.core_type = #tpu.core_type<tc>, window_params = [{transform_indices = @transform_0, window_bounds = array<i64: 21, 32, 2048>}, {transform_indices = @transform_1, window_bounds = array<i64: 32, 2048>}, {transform_indices = @transform_2, window_bounds = array<i64: 32, 4, 2048>}, {transform_indices = @transform_3, window_bounds = array<i64: 32, 4, 2048>}, {transform_indices = @transform_4, window_bounds = array<i64: 32, 2048>}, {transform_indices = @transform_5, window_bounds = array<i64: 32, 2048>}, {pipeline_mode = #tpu.pipeline_mode<synchronous>, transform_indices = @transform_6, window_bounds = array<i64: 32, 128>}, {pipeline_mode = #tpu.pipeline_mode<synchronous>, transform_indices = @transform_7, window_bounds = array<i64: 32, 128>}]} {
    %get3A = arith.constant 0 : index
    %get3A_0 = arith.constant 0 : index
    %get3A_1 = arith.constant 0 : index
    %get3A_2 = vector.load %arg1[%get3A, %get3A_0, %get3A_1] : memref<21x32x2048xf32, #tpu.memory_space<vmem>>, vector<21x32x2048xf32>
    %get3A_3 = arith.constant 0 : index
    %get3A_4 = arith.constant 0 : index
    %get3A_5 = vector.load %arg2[%get3A_3, %get3A_4] : memref<32x2048xi32, #tpu.memory_space<vmem>>, vector<32x2048xi32>
    %exp3A = math.exp %get3A_2 : vector<21x32x2048xf32>
    %reduce_sum3A = arith.constant dense<0.000000e+00> : vector<32x2048xf32>
    %reduce_sum3A_6 = vector.multi_reduction <add>, %exp3A, %reduce_sum3A [0] : vector<21x32x2048xf32> to vector<32x2048xf32>
    %log3A = math.log %reduce_sum3A_6 : vector<32x2048xf32>
    %slice3A = vector.extract_strided_slice %get3A_2 {offsets = [0, 0, 0], sizes = [1, 32, 2048], strides = [1, 1, 1]} : vector<21x32x2048xf32> to vector<1x32x2048xf32>
    %squeeze3A = vector.shape_cast %slice3A : vector<1x32x2048xf32> to vector<32x2048xf32>
    %sub3A = arith.subf %log3A, %squeeze3A : vector<32x2048xf32>
    %max3A = arith.constant 0.000000e+00 : f32
    %max3A_7 = vector.broadcast %max3A : f32 to vector<32x2048xf32>
    %max3A_8 = arith.maximumf %sub3A, %max3A_7 : vector<32x2048xf32>
    %iota3A = tpu.iota {dimensions = array<i32: 0>} : vector<21x32x2048xi32>
    %broadcast_in_dim3A = vector.shape_cast %get3A_5 : vector<32x2048xi32> to vector<1x32x2048xi32>
    %eq3A = vector.broadcast %broadcast_in_dim3A : vector<1x32x2048xi32> to vector<21x32x2048xi32>
    %eq3A_9 = arith.cmpi eq, %iota3A, %eq3A : vector<21x32x2048xi32>
    %jit3A = arith.constant 0.000000e+00 : f32
    %broadcast_in_dim3A_10 = vector.broadcast %jit3A : f32 to vector<21x32x2048xf32>
    %select_n3A = arith.select %eq3A_9, %get3A_2, %broadcast_in_dim3A_10 : vector<21x32x2048xi1>, vector<21x32x2048xf32>
    %reduce_sum3A_11 = arith.constant dense<0.000000e+00> : vector<32x2048xf32>
    %reduce_sum3A_12 = vector.multi_reduction <add>, %select_n3A, %reduce_sum3A_11 [0] : vector<21x32x2048xf32> to vector<32x2048xf32>
    %sub3A_13 = arith.subf %log3A, %reduce_sum3A_12 : vector<32x2048xf32>
    %iota3A_14 = tpu.iota {dimensions = array<i32: 1>} : vector<32x2048xi32>
    %mul3A = arith.constant 2048 : i32
    %mul3A_15 = arith.muli %arg0, %mul3A : i32
    %add3A = vector.broadcast %mul3A_15 : i32 to vector<32x2048xi32>
    %add3A_16 = arith.addi %iota3A_14, %add3A : vector<32x2048xi32>
    %lt3A = arith.constant 20000 : i32
    %lt3A_17 = vector.broadcast %lt3A : i32 to vector<32x2048xi32>
    %lt3A_18 = arith.cmpi slt, %add3A_16, %lt3A_17 : vector<32x2048xi32>
    %gt3A = arith.constant 0 : i32
    %gt3A_19 = vector.broadcast %gt3A : i32 to vector<32x2048xi32>
    %gt3A_20 = arith.cmpi sgt, %get3A_5, %gt3A_19 : vector<32x2048xi32>
    %and3A = arith.andi %gt3A_20, %lt3A_18 : vector<32x2048xi1>
    %jit3A_21 = arith.constant 1.000000e+00 : f32
    %jit3A_22 = arith.constant 0.000000e+00 : f32
    %broadcast_in_dim3A_23 = vector.broadcast %jit3A_21 : f32 to vector<32x2048xf32>
    %broadcast_in_dim3A_24 = vector.broadcast %jit3A_22 : f32 to vector<32x2048xf32>
    %select_n3A_25 = arith.select %and3A, %broadcast_in_dim3A_23, %broadcast_in_dim3A_24 : vector<32x2048xi1>, vector<32x2048xf32>
    %jit3A_26 = arith.constant -1.000000e+00 : f32
    %broadcast_in_dim3A_27 = vector.broadcast %jit3A_26 : f32 to vector<32x2048xf32>
    %select_n3A_28 = arith.select %and3A, %broadcast_in_dim3A_27, %max3A_8 : vector<32x2048xi1>, vector<32x2048xf32>
    %swap3A = arith.constant 0 : index
    %swap3A_29 = arith.constant 0 : index
    %swap3A_30 = vector.load %arg5[%swap3A, %swap3A_29] : memref<32x2048xf32, #tpu.memory_space<vmem>>, vector<32x2048xf32>
    tpu.vector_store %arg5[%swap3A, %swap3A_29], %select_n3A_28 {strides = array<i32>} : memref<32x2048xf32, #tpu.memory_space<vmem>>, vector<32x2048xf32>,
    %bitcast_convert_type3A = tpu.bitcast %max3A_8 : vector<32x2048xf32> -> vector<32x2048xi32>
    %jit3A_31 = arith.constant -1082130432 : i32
    %broadcast_in_dim3A_32 = vector.broadcast %jit3A_31 : i32 to vector<32x2048xi32>
    %select_n3A_33 = arith.select %and3A, %broadcast_in_dim3A_32, %bitcast_convert_type3A : vector<32x2048xi1>, vector<32x2048xi32>
    %swap3A_34 = arith.constant 0 : index
    %swap3A_35 = arith.constant 0 : index
    %swap3A_36 = vector.load %arg6[%swap3A_34, %swap3A_35] : memref<32x2048xi32, #tpu.memory_space<vmem>>, vector<32x2048xi32>
    tpu.vector_store %arg6[%swap3A_34, %swap3A_35], %select_n3A_33 {strides = array<i32>} : memref<32x2048xi32, #tpu.memory_space<vmem>>, vector<32x2048xi32>,
    %get3A_37 = arith.constant 0 : index
    %get3A_38 = arith.constant 0 : index
    %get3A_39 = arith.constant 0 : index
    %get3A_40 = vector.load %arg3[%get3A_37, %get3A_38, %get3A_39] : memref<32x4x2048xf32, #tpu.memory_space<vmem>>, vector<32x4x2048xf32>
    %get3A_41 = arith.constant 0 : index
    %get3A_42 = arith.constant 0 : index
    %get3A_43 = arith.constant 0 : index
    %get3A_44 = vector.load %arg4[%get3A_41, %get3A_42, %get3A_43] : memref<32x4x2048xf32, #tpu.memory_space<vmem>>, vector<32x4x2048xf32>
    %sub3A_45 = arith.subf %get3A_40, %get3A_44 : vector<32x4x2048xf32>
    %abs3A = math.absf %sub3A_45 : vector<32x4x2048xf32>
    %lt3A_46 = arith.constant 1.000000e+00 : f32
    %lt3A_47 = vector.broadcast %lt3A_46 : f32 to vector<32x4x2048xf32>
    %lt3A_48 = arith.cmpf olt, %abs3A, %lt3A_47 : vector<32x4x2048xf32>
    %mul3A_49 = arith.constant 5.000000e-01 : f32
    %mul3A_50 = vector.broadcast %mul3A_49 : f32 to vector<32x4x2048xf32>
    %mul3A_51 = arith.mulf %mul3A_50, %sub3A_45 : vector<32x4x2048xf32>
    %mul3A_52 = arith.mulf %mul3A_51, %sub3A_45 : vector<32x4x2048xf32>
    %sub3A_53 = arith.constant 5.000000e-01 : f32
    %sub3A_54 = vector.broadcast %sub3A_53 : f32 to vector<32x4x2048xf32>
    %sub3A_55 = arith.subf %abs3A, %sub3A_54 : vector<32x4x2048xf32>
    %select_n3A_56 = arith.select %lt3A_48, %mul3A_52, %sub3A_55 : vector<32x4x2048xi1>, vector<32x4x2048xf32>
    %slice3A_57 = vector.extract_strided_slice %select_n3A_56 {offsets = [0, 0, 0], sizes = [32, 1, 2048], strides = [1, 1, 1]} : vector<32x4x2048xf32> to vector<32x1x2048xf32>
    %squeeze3A_58 = vector.shape_cast %slice3A_57 : vector<32x1x2048xf32> to vector<32x2048xf32>
    %slice3A_59 = vector.extract_strided_slice %select_n3A_56 {offsets = [0, 1, 0], sizes = [32, 1, 2048], strides = [1, 1, 1]} : vector<32x4x2048xf32> to vector<32x1x2048xf32>
    %squeeze3A_60 = vector.shape_cast %slice3A_59 : vector<32x1x2048xf32> to vector<32x2048xf32>
    %add3A_61 = arith.addf %squeeze3A_58, %squeeze3A_60 : vector<32x2048xf32>
    %slice3A_62 = vector.extract_strided_slice %select_n3A_56 {offsets = [0, 2, 0], sizes = [32, 1, 2048], strides = [1, 1, 1]} : vector<32x4x2048xf32> to vector<32x1x2048xf32>
    %squeeze3A_63 = vector.shape_cast %slice3A_62 : vector<32x1x2048xf32> to vector<32x2048xf32>
    %add3A_64 = arith.addf %add3A_61, %squeeze3A_63 : vector<32x2048xf32>
    %slice3A_65 = vector.extract_strided_slice %select_n3A_56 {offsets = [0, 3, 0], sizes = [32, 1, 2048], strides = [1, 1, 1]} : vector<32x4x2048xf32> to vector<32x1x2048xf32>
    %squeeze3A_66 = vector.shape_cast %slice3A_65 : vector<32x1x2048xf32> to vector<32x2048xf32>
    %add3A_67 = arith.addf %add3A_64, %squeeze3A_66 : vector<32x2048xf32>
    %jit3A_68 = arith.constant 0.000000e+00 : f32
    %broadcast_in_dim3A_69 = vector.broadcast %jit3A_68 : f32 to vector<32x2048xf32>
    %select_n3A_70 = arith.select %and3A, %add3A_67, %broadcast_in_dim3A_69 : vector<32x2048xi1>, vector<32x2048xf32>
    %reduce_sum3A_71 = arith.constant dense<0.000000e+00> : vector<32xf32>
    %reduce_sum3A_72 = vector.multi_reduction <add>, %select_n3A_70, %reduce_sum3A_71 [1] : vector<32x2048xf32> to vector<32xf32>
    %broadcast_in_dim3A_73 = vector.shape_cast %reduce_sum3A_72 : vector<32xf32> to vector<32x1xf32>
    %reduce_sum3A_74 = arith.constant dense<0.000000e+00> : vector<32xf32>
    %reduce_sum3A_75 = vector.multi_reduction <add>, %select_n3A_25, %reduce_sum3A_74 [1] : vector<32x2048xf32> to vector<32xf32>
    %broadcast_in_dim3A_76 = vector.shape_cast %reduce_sum3A_75 : vector<32xf32> to vector<32x1xf32>
    %jit3A_77 = arith.constant 0.000000e+00 : f32
    %broadcast_in_dim3A_78 = vector.broadcast %jit3A_77 : f32 to vector<32x2048xf32>
    %select_n3A_79 = arith.select %and3A, %sub3A_13, %broadcast_in_dim3A_78 : vector<32x2048xi1>, vector<32x2048xf32>
    %reduce_sum3A_80 = arith.constant dense<0.000000e+00> : vector<32xf32>
    %reduce_sum3A_81 = vector.multi_reduction <add>, %select_n3A_79, %reduce_sum3A_80 [1] : vector<32x2048xf32> to vector<32xf32>
    %broadcast_in_dim3A_82 = vector.shape_cast %reduce_sum3A_81 : vector<32xf32> to vector<32x1xf32>
    %iota3A_83 = tpu.iota {dimensions = array<i32: 1>} : vector<32x128xi32>
    %eq3A_84 = arith.constant 0 : i32
    %eq3A_85 = vector.broadcast %eq3A_84 : i32 to vector<32x128xi32>
    %eq3A_86 = arith.cmpi eq, %iota3A_83, %eq3A_85 : vector<32x128xi32>
    %jit3A_87 = arith.constant 0.000000e+00 : f32
    %broadcast_in_dim3A_88 = vector.shape_cast %broadcast_in_dim3A_76 : vector<32x1xf32> to vector<32x1xf32>
    %broadcast_in_dim3A_89 = vector.broadcast %broadcast_in_dim3A_88 : vector<32x1xf32> to vector<32x128xf32>
    %broadcast_in_dim3A_90 = vector.broadcast %jit3A_87 : f32 to vector<32x128xf32>
    %select_n3A_91 = arith.select %eq3A_86, %broadcast_in_dim3A_89, %broadcast_in_dim3A_90 : vector<32x128xi1>, vector<32x128xf32>
    %eq3A_92 = arith.constant 1 : i32
    %eq3A_93 = vector.broadcast %eq3A_92 : i32 to vector<32x128xi32>
    %eq3A_94 = arith.cmpi eq, %iota3A_83, %eq3A_93 : vector<32x128xi32>
    %jit3A_95 = arith.constant 0.000000e+00 : f32
    %broadcast_in_dim3A_96 = vector.shape_cast %broadcast_in_dim3A_82 : vector<32x1xf32> to vector<32x1xf32>
    %broadcast_in_dim3A_97 = vector.broadcast %broadcast_in_dim3A_96 : vector<32x1xf32> to vector<32x128xf32>
    %broadcast_in_dim3A_98 = vector.broadcast %jit3A_95 : f32 to vector<32x128xf32>
    %select_n3A_99 = arith.select %eq3A_94, %broadcast_in_dim3A_97, %broadcast_in_dim3A_98 : vector<32x128xi1>, vector<32x128xf32>
    %add3A_100 = arith.addf %select_n3A_91, %select_n3A_99 : vector<32x128xf32>
    %eq3A_101 = arith.constant 2 : i32
    %eq3A_102 = vector.broadcast %eq3A_101 : i32 to vector<32x128xi32>
    %eq3A_103 = arith.cmpi eq, %iota3A_83, %eq3A_102 : vector<32x128xi32>
    %jit3A_104 = arith.constant 0.000000e+00 : f32
    %broadcast_in_dim3A_105 = vector.shape_cast %broadcast_in_dim3A_73 : vector<32x1xf32> to vector<32x1xf32>
    %broadcast_in_dim3A_106 = vector.broadcast %broadcast_in_dim3A_105 : vector<32x1xf32> to vector<32x128xf32>
    %broadcast_in_dim3A_107 = vector.broadcast %jit3A_104 : f32 to vector<32x128xf32>
    %select_n3A_108 = arith.select %eq3A_103, %broadcast_in_dim3A_106, %broadcast_in_dim3A_107 : vector<32x128xi1>, vector<32x128xf32>
    %add3A_109 = arith.addf %add3A_100, %select_n3A_108 : vector<32x128xf32>
    %eq3A_110 = arith.constant 0 : i32
    %eq3A_111 = arith.cmpi eq, %arg0, %eq3A_110 : i32
    %convert_element_type3A = arith.extui %eq3A_111 : i1 to i32
    %cond3A = arith.constant 0 : i32
    %cond3A_112 = arith.cmpi ne, %convert_element_type3A, %cond3A : i32
    scf.if %cond3A_112 {
      %swap3A_123 = arith.constant 0 : index
      %swap3A_124 = arith.constant 0 : index
      %swap3A_125 = vector.load %arg7[%swap3A_123, %swap3A_124] : memref<32x128xf32, #tpu.memory_space<vmem>>, vector<32x128xf32>
      tpu.vector_store %arg7[%swap3A_123, %swap3A_124], %add3A_109 {strides = array<i32>} : memref<32x128xf32, #tpu.memory_space<vmem>>, vector<32x128xf32>,
    } else {
    }
    %gt3A_113 = arith.constant 0 : i32
    %gt3A_114 = arith.cmpi sgt, %arg0, %gt3A_113 : i32
    %convert_element_type3A_115 = arith.extui %gt3A_114 : i1 to i32
    %cond3A_116 = arith.constant 0 : i32
    %cond3A_117 = arith.cmpi ne, %convert_element_type3A_115, %cond3A_116 : i32
    scf.if %cond3A_117 {
      %get3A_123 = arith.constant 0 : index
      %get3A_124 = arith.constant 0 : index
      %get3A_125 = vector.load %arg7[%get3A_123, %get3A_124] : memref<32x128xf32, #tpu.memory_space<vmem>>, vector<32x128xf32>
      %add3A_126 = arith.addf %get3A_125, %add3A_109 : vector<32x128xf32>
      %swap3A_127 = arith.constant 0 : index
      %swap3A_128 = arith.constant 0 : index
      %swap3A_129 = vector.load %arg7[%swap3A_127, %swap3A_128] : memref<32x128xf32, #tpu.memory_space<vmem>>, vector<32x128xf32>
      tpu.vector_store %arg7[%swap3A_127, %swap3A_128], %add3A_126 {strides = array<i32>} : memref<32x128xf32, #tpu.memory_space<vmem>>, vector<32x128xf32>,
    } else {
    }
    %eq3A_118 = arith.constant 9 : i32
    %eq3A_119 = arith.cmpi eq, %arg0, %eq3A_118 : i32
    %convert_element_type3A_120 = arith.extui %eq3A_119 : i1 to i32
    %cond3A_121 = arith.constant 0 : i32
    %cond3A_122 = arith.cmpi ne, %convert_element_type3A_120, %cond3A_121 : i32
    scf.if %cond3A_122 {
      %get3A_123 = arith.constant 0 : index
      %get3A_124 = arith.constant 0 : index
      %get3A_125 = vector.load %arg7[%get3A_123, %get3A_124] : memref<32x128xf32, #tpu.memory_space<vmem>>, vector<32x128xf32>
      %slice3A_126 = vector.extract_strided_slice %get3A_125 {offsets = [0, 0], sizes = [32, 1], strides = [1, 1]} : vector<32x128xf32> to vector<32x1xf32>
      %mul3A_127 = arith.constant 3.000000e+00 : f32
      %mul3A_128 = vector.broadcast %mul3A_127 : f32 to vector<32x1xf32>
      %mul3A_129 = arith.mulf %mul3A_128, %slice3A_126 : vector<32x1xf32>
      %sub3A_130 = arith.constant 2.000000e+04 : f32
      %sub3A_131 = vector.broadcast %sub3A_130 : f32 to vector<32x1xf32>
      %sub3A_132 = arith.subf %sub3A_131, %slice3A_126 : vector<32x1xf32>
      %min3A = arith.minimumf %mul3A_129, %sub3A_132 : vector<32x1xf32>
      %broadcast_in_dim3A_133 = vector.shape_cast %min3A : vector<32x1xf32> to vector<32x1xf32>
      %broadcast_in_dim3A_134 = vector.broadcast %broadcast_in_dim3A_133 : vector<32x1xf32> to vector<32x128xf32>
      %swap3A_135 = arith.constant 0 : index
      %swap3A_136 = arith.constant 0 : index
      %swap3A_137 = vector.load %arg8[%swap3A_135, %swap3A_136] : memref<32x128xf32, #tpu.memory_space<vmem>>, vector<32x128xf32>
      tpu.vector_store %arg8[%swap3A_135, %swap3A_136], %broadcast_in_dim3A_134 {strides = array<i32>} : memref<32x128xf32, #tpu.memory_space<vmem>>, vector<32x128xf32>,
    } else {
    }
    return
  }
  func.func @transform_0(%arg0: i32) -> (i32, i32, i32) {
    %c0_i32 = arith.constant 0 : i32
    %c0_i32_0 = arith.constant 0 : i32
    %c0_i32_1 = arith.constant 0 : i32
    return %c0_i32, %c0_i32_0, %arg0 : i32, i32, i32
  }
  func.func @transform_1(%arg0: i32) -> (i32, i32) {
    %c0_i32 = arith.constant 0 : i32
    %c0_i32_0 = arith.constant 0 : i32
    return %c0_i32, %arg0 : i32, i32
  }
  func.func @transform_2(%arg0: i32) -> (i32, i32, i32) {
    %c0_i32 = arith.constant 0 : i32
    %c0_i32_0 = arith.constant 0 : i32
    %c0_i32_1 = arith.constant 0 : i32
    return %c0_i32, %c0_i32_0, %arg0 : i32, i32, i32
  }
  func.func @transform_3(%arg0: i32) -> (i32, i32, i32) {
    %c0_i32 = arith.constant 0 : i32
    %c0_i32_0 = arith.constant 0 : i32
    %c0_i32_1 = arith.constant 0 : i32
    return %c0_i32, %c0_i32_0, %arg0 : i32, i32, i32
  }
  func.func @transform_4(%arg0: i32) -> (i32, i32) {
    %c0_i32 = arith.constant 0 : i32
    %c0_i32_0 = arith.constant 0 : i32
    return %c0_i32, %arg0 : i32, i32
  }
  func.func @transform_5(%arg0: i32) -> (i32, i32) {
    %c0_i32 = arith.constant 0 : i32
    %c0_i32_0 = arith.constant 0 : i32
    return %c0_i32, %arg0 : i32, i32
  }
  func.func @transform_6(%arg0: i32) -> (i32, i32) {
    %c0_i32 = arith.constant 0 : i32
    %c0_i32_0 = arith.constant 0 : i32
    %c0_i32_1 = arith.constant 0 : i32
    return %c0_i32, %c0_i32_0 : i32, i32
  }
  func.func @transform_7(%arg0: i32) -> (i32, i32) {
    %c0_i32 = arith.constant 0 : i32
    %c0_i32_0 = arith.constant 0 : i32
    %c0_i32_1 = arith.constant 0 : i32
    return %c0_i32, %c0_i32_0 : i32, i32
  }
}

</mosaic_0001>

<sc_bundles>
// kernel: kernel.4.cloned.1.call-start
scs
__scs_entry_jumppad:
0x0: {  	(pc) =	sbr.rel $0x88, $3  }
0x1: {  	(tag) =	ssettag $0x0;
	lr =	simm.s32 $0x1  }
0x2: {  	[smem:$0x3F9D] =	sst lr;
	_ =	strace $0xD0000000  }
0x3: {  	_ = 	snop  }
0x4: {  	_ = 	snop  }
0x5: {  	_ = 	snop  }
0x6: {  	_ = 	snop  }
0x7: {  	_ = 	snop  }
__scs_overlays_trampoline_lowered:
0x8: {  	[smem:$0x3FAC] =	sst s0  }
0x9: {  	[smem:$0x3FAD] =	sst s1  }
0xa: {  	[smem:$0x3FAE] =	sst s2  }
0xb: {  	[smem:$0x3FAF] =	sst s3  }
0xc: {  	[smem:$0x3FB0] =	sst s4  }
0xd: {  	[smem:$0x3FB1] =	sst s5  }
0xe: {  	[smem:$0x3FB2] =	sst s6  }
0xf: {  	[smem:$0x3FB3] =	sst s7  }
0x10: {  	[smem:$0x3FB4] =	sst s8  }
0x11: {  	[smem:$0x3FB5] =	sst s9;
	s0 =	simm.s32 @!p0 $0x0  }
0x12: {  	s1 =	sld [smem:$0x3F9B];
	s0 =	simm.s32 @p0 $0x1  }
0x13: {  	[smem:$0x3FB6] =	sst s0;
	s0 =	simm.s32 @!p1 $0x0  }
0x14: {  	s2 =	sld [smem:$0x3F9A];
	s0 =	simm.s32 @p1 $0x1  }
0x15: {  	[smem:$0x3FB7] =	sst s0;
	s0 =	simm.s32 @!p2 $0x0  }
0x16: {  	s3 =	sld [smem:$0x3FDB];
	s0 =	simm.s32 @p2 $0x1  }
0x17: {  	s4 =	simm.s32 $0x1BF5;
	[smem:$0x3FB9] =	sst s0  }
0x18: {  	s0 =	sld [smem:$0x3F9C];
	_ =	swait.ge [sflag:s4], $0x0  }
0x19: {  	s7 =	sld [smem:$0x3F9D]  }
0x1a: {  	s8 =	sadd.s32 $0xFFFFE003, lr  }
0x1b: {  	s9 =	sadd.s32 $0xFFFFFEF7, lr;
	s5 =	simm.s32 $0xFFFFFFFF;
	p2 =	slt.u32 s8, $0xFFFFF086  }
0x1c: {  	p1 =	slt.u32 s9, $0xF7A;
	s5 =	simm.s32 @!p2 $0x0  }
0x1d: {  	s5 =	simm.s32 @p1 $0x1;
	p0 =	seq.s32 s7, s2  }
0x1e: {  	s7 =	smul.u32 @!p0 $0xF7A, s2;
	p2 =	seq.s32 @!p0 s5, $0x0  }
0x1f: {  	s9 =	smul.u32 $0xF7A, s1;
	s8 =	simm.s32 @!p0 $0x1BF5;
	p2 =	por !p2, p0  }
0x20: {  	[sflag:s8] =	ssyncset.s32 @!p0 $0xFFFFF086;
	s6 =	sadd.s32 @!p0 s3, s7;
	s7 =	simm.s32 @!p0 $0x108  }
0x21: {  	s3 =	sadd.s32 s3, s9;
	s6 =	sadd.s32 @!p0 $0x88, s6;
	s7 =	simm.s32 @p2 $0x1082  }
0x22: {  	[simem:s7], [sflag:s8] =	dma.local @!p0 [hbm:s6], $0xF7A  }
0x23: {  	s9 =	sor.u32 $0xD0000000, s2;
	s6 =	simm.s32 $0x108;
	_ =	swait.ge @!p0 [sflag:s8], $0x0  }
0x24: {  	s3 =	sadd.s32 $0x88, s3;
	s6 =	simm.s32 @!p1 $0x1082;
	[sflag:s4] =	ssyncset.s32 $0xFFFFF086  }
0x25: {  	[simem:s6], [sflag:s4] =	dma.local [hbm:s3], $0xF7A  }
0x26: {  	[smem:$0x3F9D] =	sst s1;
	(tag) =	ssettag s2;
	_ =	strace s9  }
0x27: {  	s1 =	sld [smem:$0x3FAD]  }
0x28: {  	s2 =	sld [smem:$0x3FAE]  }
0x29: {  	s4 =	sld [smem:$0x3FB0]  }
0x2a: {  	p0 =	seq.s32 s5, $0x0;
	s5 =	sld [smem:$0x3FB1]  }
0x2b: {  	s6 =	sld [smem:$0x3FB2]  }
0x2c: {  	s7 =	sld [smem:$0x3FB3]  }
0x2d: {  	s3 =	simm.s32 $0x108;
	s8 =	sld [smem:$0x3FB4]  }
0x2e: {  	s3 =	simm.s32 @!p0 $0x1082;
	s9 =	sld [smem:$0x3FB5]  }
0x2f: {  	lr =	sadd.s32 s0, s3;
	s0 =	sld [smem:$0x3FAC]  }
0x30: {  	s3 =	sld [smem:$0x3FAF]  }
0x31: {  	[smem:$0x3FB8] =	sst s10  }
0x32: {  	s10 =	sld [smem:$0x3FB6];
	_ =	sdelay $0x3  }
0x33: {  	p0 =	seq.s32 s10, $0x1;
	s10 =	sld [smem:$0x3FB8];
	_ =	sdelay $0x3  }
0x34: {  	[smem:$0x3FB8] =	sst s10  }
0x35: {  	s10 =	sld [smem:$0x3FB7];
	_ =	sdelay $0x3  }
0x36: {  	p1 =	seq.s32 s10, $0x1;
	s10 =	sld [smem:$0x3FB8];
	_ =	sdelay $0x3  }
0x37: {  	[smem:$0x3FB8] =	sst s10  }
0x38: {  	s10 =	sld [smem:$0x3FB9]  }
0x39: {  	_ = 	snop;
	(pc) =	sbr.ind lr, $3  }
0x3a: {  	_ = 	snop  }
0x3b: {  	_ = 	snop  }
0x3c: {  	p2 =	seq.s32 s10, $0x1;
	s10 =	sld [smem:$0x3FB8]  }
0x3d: {  	_ =	shalt  }
0x3e: {  	_ =	shalt  }
0x3f: {  	_ =	shalt  }
0x40: {  	_ =	shalt  }
0x41: {  	_ =	shalt  }
0x42: {  	_ =	shalt  }
0x43: {  	_ =	shalt  }
0x44: {  	_ =	shalt  }
0x45: {  	_ =	shalt  }
0x46: {  	_ =	shalt  }
0x47: {  	_ =	shalt  }
0x48: {  	_ =	shalt  }
0x49: {  	_ =	shalt  }
0x4a: {  	_ =	shalt  }
0x4b: {  	_ =	shalt  }
0x4c: {  	_ =	shalt  }
0x4d: {  	_ =	shalt  }
0x4e: {  	_ =	shalt  }
0x4f: {  	_ =	shalt  }
0x50: {  	_ =	shalt  }
0x51: {  	_ =	shalt  }
0x52: {  	_ =	shalt  }
0x53: {  	_ =	shalt  }
0x54: {  	_ =	shalt  }
0x55: {  	_ =	shalt  }
0x56: {  	_ =	shalt  }
0x57: {  	_ =	shalt  }
0x58: {  	_ =	shalt  }
0x59: {  	_ =	shalt  }
0x5a: {  	_ =	shalt  }
0x5b: {  	_ =	shalt  }
0x5c: {  	_ =	shalt  }
0x5d: {  	_ =	shalt  }
0x5e: {  	_ =	shalt  }
0x5f: {  	_ =	shalt  }
0x60: {  	_ =	shalt  }
0x61: {  	_ =	shalt  }
0x62: {  	_ =	shalt  }
0x63: {  	_ =	shalt  }
0x64: {  	_ =	shalt  }
0x65: {  	_ =	shalt  }
0x66: {  	_ =	shalt  }
0x67: {  	_ =	shalt  }
0x68: {  	_ =	shalt  }
0x69: {  	_ =	shalt  }
0x6a: {  	_ =	shalt  }
0x6b: {  	_ =	shalt  }
0x6c: {  	_ =	shalt  }
0x6d: {  	_ =	shalt  }
0x6e: {  	_ =	shalt  }
0x6f: {  	_ =	shalt  }
0x70: {  	_ =	shalt  }
0x71: {  	_ =	shalt  }
0x72: {  	_ =	shalt  }
0x73: {  	_ =	shalt  }
0x74: {  	_ =	shalt  }
0x75: {  	_ =	shalt  }
0x76: {  	_ =	shalt  }
0x77: {  	_ =	shalt  }
0x78: {  	_ =	shalt  }
0x79: {  	_ =	shalt  }
0x7a: {  	_ =	shalt  }
0x7b: {  	_ =	shalt  }
0x7c: {  	_ =	shalt  }
0x7d: {  	_ =	shalt  }
0x7e: {  	_ =	shalt  }
0x7f: {  	_ =	shalt  }
0x80: {  	_ =	shalt  }
0x81: {  	_ =	shalt  }
0x82: {  	_ =	shalt  }
0x83: {  	_ =	shalt  }
0x84: {  	_ =	shalt  }
0x85: {  	_ =	shalt  }
0x86: {  	_ =	shalt  }
0x87: {  	_ =	shalt  }
.Lfunc_end0:
.L_simem_size_0:
called_computation_lowered:
.L_overlay_start_0:
0x88: {  	s2 =	sld [smem:$0x3FD9]  }
0x89: {  	s3 =	sld [smem:$0x3FFE];
	_ =	sdelay $0x1  }
0x8a: {  	s1 =	srdreg.scid  }
0x8b: {  	s0 =	sand.u32 $0x1, s1  }
0x8c: {  	s16 =	sshll.u32 s0, $0xA;
	s2 =	sadd.s32 s3, s2  }
0x8d: {  	s2 =	sadd.s32 s2, s16  }
0x8e: {  	[smem:$0x3FC4] =	sst s2  }
0x8f: {  	_ = 	snop  }
0x90: {  	(tm) =	ssettm $0x1  }
0x91: {  	s17 =	sld [smem:$0x3FFB];
	_ =	sdelay $0x3  }
0x92: {  	_ =	strace s17  }
0x93: {  	s2 =	sld [smem:$0x3FFC];
	_ =	sdelay $0x3  }
0x94: {  	_ =	strace s2  }
0x95: {  	s2 =	sld [smem:$0x3FFD];
	_ =	sdelay $0x3  }
0x96: {  	_ =	strace s2  }
0x97: {  	_ =	strace $0x8FFFFFFF  }
0x98: {  	s18 =	sld [smem:$0x3FDB];
	_ =	sdelay $0x1  }
0x99: {  	s19 =	simm.s32 $_scs_section_size  }
0x9a: {  	s4 =	simm.s32 $_size__tile_overlayer_lowered;
	s5 =	simm.s32 $_tile_overlayer_lowered  }
0x9b: {  	s22 =	simm.s32 $0x1BFF;
	s21 =	sshll.u32 s5, $0x1;
	s2 =	sadd.s32 s19, s18  }
0x9c: {  	s6 =	simm.s32 $0x0;
	s20 =	sshll.u32 s4, $0x1;
	s4 =	sadd.s32 s21, s2  }
0x9d: {  	[timem:s6], [sflag:s22] =	dma.local [hbm:s4], s20  }
0x9e: {  	_ =	swait.ge [sflag:s22], s20  }
0x9f: {  	s3 =	ssub.s32 $0x0, s20;
	[sflag:s22] =	ssyncset.done $0x0  }
0xa0: {  	[sflag:s22] =	ssyncadd.s32 s3;
	_ =	sdelay $0x1  }
0xa1: {  	s23 =	simm.s32 $0x1B8B  }
0xa2: {  	_ =	swait.ge [sflag:s23], $0x1  }
0xa3: {  	[sflag:s23] =	ssyncset.done $0x0  }
0xa4: {  	s25 =	simm.s32 $0x1B8E;
	s24 =	sld [smem:$0x3FFE];
	[sflag:s23] =	ssyncadd.s32 $0xFFFFFFFF  }
0xa5: {  	s26 =	simm.s32 $execute0_lowered;
	[smem:$0x3FD2] =	sst s25  }
0xa6: {  	s4 =	sshll.u32 s26, $0x1;
	_ =	strace $0x80000046;
	[dreg:$0x1] =	wrdreg $0xFFFFFFFF  }
0xa7: {  	s28 =	simm.s32 $_size_execute0_lowered;
	s2 =	sadd.s32 s2, s4;
	[dreg:$0x0] =	wrdreg $0x0  }
0xa8: {  	s4 =	sshll.u32 s28, $0x1;
	[dreg:$0x2] =	wrdreg s2  }
0xa9: {  	[dreg:$0x3] =	wrdreg s4  }
0xaa: {  	[dreg:$0x4] =	wrdreg $0xC0  }
0xab: {  	_ =	task [dreg:s6], $0x5FFFF  }
0xac: {  	[dreg:$0x1] =	wrdreg $0xFFFFFFFF  }
0xad: {  	[dreg:$0x0] =	wrdreg $0x60  }
0xae: {  	[dreg:$0x2] =	wrdreg s24  }
0xaf: {  	[dreg:$0x3] =	wrdreg $0x9  }
0xb0: {  	_ =	task.clear_ibuf [dreg:s6], $0x4FFFF;
	_ =	strace $0x90000046  }
0xb1: {  	s29 =	simm.s32 $0x9;
	_ =	strace $0x80000048  }
0xb2: {  	_ =	swait.ge [sflag:s29], $0x1  }
0xb3: {  	[sflag:s29] =	ssyncadd.s32 $0xFFFFFFFF  }
0xb4: {  	_ =	strace $0x90000048  }
0xb5: {  	_ =	sfence  }
0xb6: {  	s30 =	sld [smem:$0x0];
	_ =	sdelay $0x2  }
0xb7: {  	s31 =	sshll.u32 s1, $0xD;
	s1 =	sshrl.u32 s1, $0x2  }
0xb8: {  	s3 =	sand.u32 $0x4000, s31;
	s1 =	sadd.s32 s1, s30  }
0xb9: {  	s0 =	sor.u32 s3, s0;
	s1 =	sshll.u32 s1, $0x11  }
0xba: {  	s0 =	sor.u32 s1, s0  }
0xbb: {  	s0 =	sadd.s32 $0x8F2B, s0  }
0xbc: {  	[sflag:s0] =	ssyncadd.remote.s32 $0x1  }
0xbd: {  	_ =	sfence.sel $0xFFFF  }
0xbe: {  	[dreg:$0x0] =	wrdreg $0xFFFFFFFF;
	(pc) =	sbr.abs _section_cstart, $3  }
0xbf: {  	[dreg:$0x1] =	wrdreg $0xFFFFFFFF  }
0xc0: {  	_ =	task.clear_ibuf [dreg:s6], $0x2FFFF;
	_ =	strace $0x9FFFFFFF  }
0xc1: {  	(tm) =	ssettm $0x7FFFFFFF  }
tec
execute0_lowered:
.L_overlay_start_1:
0x0: {  	(tag) =	ssettag $0x1  }
0x1: {  	s4 =	rddreg [dreg:$0x0]  }
0x2: {  	s0 =	rddreg [dreg:$0x1];
	s2 =	simm.s32 $0x0;
	s3 =	srdreg.scid  }
0x3: {  	s1 =	stileid.u32;
	s10 =	simm.s32 $0x400;
	s11 =	simm.s32 $0x1  }
0x4: {  	s12 =	simm.s32 $0x4E80;
	s13 =	simm.s32 $0x9D00;
	s14 =	simm.s32 $0x9D80  }
0x5: {  	s15 =	simm.s32 $0x9E00;
	s16 =	simm.s32 $0x0;
	s3 =	sand.u32 $0x1, s3  }
0x6: {  	s5 =	sshrl.u32 s1, $0x2;
	s6 =	sshll.u32 s1, $0x8;
	[smem:$0x7FF] =	sst s2  }
0x7: {  	s7 =	sshll.u32 s3, $0x7;
	s6 =	sand.u32 $0x300, s6;
	s8 =	smul.u32 $0x27400, s5  }
0x8: {  	_ =	strace $0x80000047;
	s28 =	ssub.s32 $0x2, s3;
	s6 =	sor.u32 s7, s6  }
0x9: {  	s5 =	sshll.u32 s5, $0xA;
	s30 =	sshrl.u32 s28, $0x1;
	s7 =	sor.u32 s8, s6  }
0xa: {  	s5 =	sor.u32 s5, s6;
	s9 =	ssub.s32 s28, s30;
	s29 =	sshrl.u32 s7, $0x3  }
0xb: {  	s5 =	sshrl.u32 s5, $0x3;
	s8 =	smax.u32 s9, $0x1;
	s3 =	sadd.s32 s4, s29  }
0xc: {  	s9 =	simm.s32 $0x80;
	s31 =	sadd.s32 s5, s4;
	s4 =	sadd.s32 $0x13A00, s3  }
0xd: {  	v0 =	vimm.s32 $0x0;
	vm0 =	vmmov $0x1;
	s5 =	sadd.s32 $0x27400, s31;
	s6 =	sadd.s32 $0x27800, s31;
	s7 =	sadd.s32 $0x27600, s31  }
.LBB2_1:
0xe: {  	[tilespmem:s2], [sflag:$0x1] =	stream.strided.gather [hbm4b:s3+s9], $0x4E80, s10, s9, $0x38;
	[tilespmem:$0x9F00] =	vst v63  }
0xf: {  	_ =	swait.ge [sflag:s11], $0x4E80  }
0x10: {  	[sflag:s11] =	ssyncset.done $0x0  }
0x11: {  	[sflag:s11] =	ssyncadd.s32 $0xFFFFB180  }
0x12: {  	[tilespmem:s12], [sflag:$0x1] =	stream.strided.gather [hbm4b:s4+s9], $0x4E80, s10, s9, $0x38;
	[tilespmem:$0x9F00] =	vst v63  }
0x13: {  	_ =	swait.ge [sflag:s11], $0x4E80  }
0x14: {  	[sflag:s11] =	ssyncset.done $0x0  }
0x15: {  	[sflag:s11] =	ssyncadd.s32 $0xFFFFB180  }
0x16: {  	[tilespmem:s13], [sflag:$0x1] =	stream.linear.gather [hbm4b:s5+s2], $0x80, $0x38;
	[tilespmem:$0x9F00] =	vst v63  }
0x17: {  	_ =	swait.ge [sflag:s11], $0x80  }
0x18: {  	[sflag:s11] =	ssyncset.done $0x0  }
0x19: {  	[sflag:s11] =	ssyncadd.s32 $0xFFFFFF80  }
0x1a: {  	v1 =	vld [tilespmem:$0x9D00];
	_ =	sdelay $0x4  }
0x1b: {  	v1 =	vtrunc.f32 v1  }
0x1c: {  	v3 =	vimm.s32 $0x0;
	s17 =	simm.s32 $0x0;
	v2 =	vcvt.f32.s32 v1;
	v1 =	vimm.s32 $0x7F800000  }
.LBB2_2:
0x1d: {  	s19 =	simm.s32 $0x4EC0  }
0x1e: {  	v5 =	vld [tilespmem:s19+$0xFFFFFFC0]  }
0x1f: {  	v4 =	vsub.s32 v1, v3;
	v7 =	vld [tilespmem:s19+$0xFFFFFFD0]  }
0x20: {  	v4 =	vadd.s32 $0x1, v4;
	v9 =	vld [tilespmem:s19+$0xFFFFFFE0]  }
0x21: {  	v8 =	vld [tilespmem:s19+$0xFFFFFFF0];
	v4 =	vshra.s32 v4, $0x1  }
0x22: {  	v6 =	vld [tilespmem:s19+$0x0];
	v4 =	vadd.s32 v3, v4  }
0x23: {  	vm1 =	vge.s32 v5, v4;
	v5 =	vld [tilespmem:s19+$0x10]  }
0x24: {  	v10 =	vimm.s32 $0x0;
	v11 =	vsel vm1, $0x1, v0;
	vm1 =	vge.s32 v7, v4;
	v7 =	vld [tilespmem:s19+$0x20]  }
0x25: {  	s18 =	simm.s32 $0x0;
	v10 =	vadd.s32 v11, v10;
	v11 =	vsel vm1, $0x1, v0;
	vm1 =	vge.s32 v9, v4;
	v9 =	vld [tilespmem:s19+$0x30];
	s19 =	simm.s32 $0x4F40  }
.LBB2_3:
0x26: {  	v12 =	vld [tilespmem:s19+$0xFFFFFFC0];
	s18 =	sadd.s32 $0x8, s18;
	v10 =	vadd.s32 v11, v10;
	v11 =	vsel vm1, $0x1, v0;
	vm1 =	vge.s32 v8, v4  }
0x27: {  	v13 =	vld [tilespmem:s19+$0xFFFFFFD0];
	p0 =	slt.u32 s18, $0x4D8;
	v8 =	vadd.s32 v11, v10;
	v10 =	vsel vm1, $0x1, v0;
	vm1 =	vge.s32 v6, v4  }
0x28: {  	v14 =	vld [tilespmem:s19+$0xFFFFFFE0];
	v6 =	vadd.s32 v10, v8;
	v10 =	vsel vm1, $0x1, v0;
	vm1 =	vge.s32 v5, v4  }
.Ltmp0:
0x29: {  	v8 =	vld [tilespmem:s19+$0xFFFFFFF0];
	v5 =	vadd.s32 v10, v6;
	v10 =	vsel vm1, $0x1, v0;
	vm1 =	vge.s32 v7, v4;
	(pc) =	sbr.rel @p0 .LBB2_3-.Ltmp0, $4  }
0x2a: {  	v6 =	vld [tilespmem:s19+$0x0];
	v7 =	vadd.s32 v10, v5;
	v10 =	vsel vm1, $0x1, v0;
	vm1 =	vge.s32 v9, v4  }
0x2b: {  	vm2 =	vge.s32 v12, v4;
	v5 =	vld [tilespmem:s19+$0x10];
	v9 =	vadd.s32 v10, v7;
	v10 =	vsel vm1, $0x1, v0  }
0x2c: {  	v11 =	vsel vm2, $0x1, v0;
	vm1 =	vge.s32 v13, v4;
	v7 =	vld [tilespmem:s19+$0x20];
	v9 =	vadd.s32 v10, v9  }
0x2d: {  	v10 =	vadd.s32 v11, v9;
	v11 =	vsel vm1, $0x1, v0;
	vm1 =	vge.s32 v14, v4;
	v9 =	vld [tilespmem:s19+$0x30];
	s19 =	sadd.s32 $0x80, s19  }
0x2e: {  	v10 =	vadd.s32 v11, v10;
	v52 =	vsel vm1, $0x1, v0;
	vm1 =	vge.s32 v8, v4;
	v53 =	vld [tilespmem:$0x9C80]  }
0x2f: {  	v55 =	vld [tilespmem:$0x9C90];
	v10 =	vadd.s32 v52, v10;
	v54 =	vsel vm1, $0x1, v0;
	vm1 =	vge.s32 v6, v4  }
0x30: {  	v10 =	vadd.s32 v54, v10;
	v56 =	vsel vm1, $0x1, v0;
	vm1 =	vge.s32 v5, v4  }
0x31: {  	v5 =	vadd.s32 v56, v10;
	v57 =	vsel vm1, $0x1, v0;
	vm1 =	vge.s32 v7, v4  }
0x32: {  	v5 =	vadd.s32 v57, v5;
	v7 =	vsel vm1, $0x1, v0;
	vm1 =	vge.s32 v9, v4  }
0x33: {  	v5 =	vadd.s32 v7, v5;
	v58 =	vsel vm1, $0x1, v0;
	vm1 =	vge.s32 v53, v4  }
0x34: {  	v5 =	vadd.s32 v58, v5;
	v59 =	vsel vm1, $0x1, v0;
	vm1 =	vge.s32 v55, v4  }
0x35: {  	v5 =	vadd.s32 v59, v5;
	v6 =	vsel vm1, $0x1, v0  }
0x36: {  	v5 =	vadd.s32 v6, v5  }
0x37: {  	[tilespmem:$0x9E80] =	vst v5  }
0x38: {  	[tilespmem:$0x9E90] =	vst v5  }
0x39: {  	v60 =	vld [tilespmem:$0x9E88];
	_ =	sdelay $0x4  }
0x3a: {  	v5 =	vadd.s32 v60, v5  }
0x3b: {  	[tilespmem:$0x9E80] =	vst v5  }
0x3c: {  	[tilespmem:$0x9E90] =	vst v5  }
0x3d: {  	v61 =	vld [tilespmem:$0x9E84];
	_ =	sdelay $0x4  }
0x3e: {  	v5 =	vadd.s32 v5, v61  }
0x3f: {  	[tilespmem:$0x9E80] =	vst v5  }
0x40: {  	[tilespmem:$0x9E90] =	vst v5  }
0x41: {  	v62 =	vld [tilespmem:$0x9E82];
	_ =	sdelay $0x4  }
0x42: {  	v5 =	vadd.s32 v5, v62  }
0x43: {  	[tilespmem:$0x9E80] =	vst v5  }
0x44: {  	[tilespmem:$0x9E90] =	vst v5  }
0x45: {  	v63 =	vld [tilespmem:$0x9E81]  }
0x46: {  	s17 =	sadd.s32 $0x1, s17  }
0x47: {  	p0 =	sne.s32 s17, $0x14  }
.Ltmp1:
0x48: {  	_ = 	snop;
	(pc) =	sbr.rel @p0 .LBB2_2-.Ltmp1, $4  }
0x49: {  	_ = 	snop  }
0x4a: {  	v5 =	vadd.s32 v5, v63  }
0x4b: {  	vm1 =	vlt.s32 v5, v2;
	v5 =	vadd.s32 $0xFFFFFFFF, v4  }
0x4c: {  	v3 =	vsel vm1, v3, v4;
	v1 =	vsel vm1, v5, v1  }
0x4d: {  	s18 =	simm.s32 $0x4EC0  }
0x4e: {  	v11 =	vld [tilespmem:s18+$0x30]  }
0x4f: {  	v2 =	vld [tilespmem:s18+$0x20]  }
0x50: {  	v4 =	vld [tilespmem:s18+$0x10]  }
0x51: {  	s17 =	simm.s32 $0x40;
	v3 =	vld [tilespmem:s18+$0xFFFFFFC0]  }
0x52: {  	v5 =	vld [tilespmem:s17+$0xFFFFFFC0]  }
0x53: {  	v6 =	vld [tilespmem:s18+$0xFFFFFFD0]  }
0x54: {  	v8 =	vld [tilespmem:s17+$0xFFFFFFD0]  }
0x55: {  	v9 =	vld [tilespmem:s18+$0xFFFFFFE0]  }
0x56: {  	vm3 =	vgt.s32 v3, v1;
	v3 =	vld [tilespmem:s17+$0xFFFFFFE0]  }
0x57: {  	v7 =	vimm.f32 $0.0e+00;
	v12 =	vld [tilespmem:s18+$0xFFFFFFF0];
	v5 =	vnsel vm3, $0x0, v5  }
0x58: {  	vm4 =	vgt.s32 v6, v1;
	v5 =	vadd.f32 v5, v7;
	v7 =	vld [tilespmem:s17+$0xFFFFFFF0]  }
0x59: {  	v10 =	vld [tilespmem:s18+$0x0];
	v6 =	vnsel vm4, $0x0, v8  }
0x5a: {  	vm5 =	vgt.s32 v9, v1;
	v6 =	vadd.f32 v6, v5;
	v5 =	vld [tilespmem:s17+$0x0]  }
0x5b: {  	v9 =	vimm.s32 $0x0;
	v8 =	vnsel vm5, $0x0, v3;
	v3 =	vld [tilespmem:s17+$0x30]  }
0x5c: {  	s19 =	simm.s32 $0x4F40;
	s18 =	simm.s32 $0x0;
	vm2 =	vgt.s32 v12, v1;
	vm1 =	vgt.s32 v11, v1;
	v8 =	vadd.f32 v8, v6;
	v6 =	vld [tilespmem:s17+$0x10]  }
.LBB2_6:
0x5d: {  	v11 =	vld [tilespmem:s19+$0x30];
	v7 =	vnsel vm2, $0x0, v7;
	vm7 =	vgt.s32 v4, v1;
	vm6 =	vgt.s32 v2, v1  }
0x5e: {  	v4 =	vsel vm3, $0x1, v0;
	v7 =	vadd.f32 v7, v8;
	vm3 =	vgt.s32 v10, v1;
	v8 =	vld [tilespmem:s17+$0x20]  }
0x5f: {  	v9 =	vadd.s32 v4, v9;
	v10 =	vsel vm4, $0x1, v0;
	v2 =	vld [tilespmem:s19+$0x20];
	v5 =	vnsel vm3, $0x0, v5  }
0x60: {  	v9 =	vadd.s32 v10, v9;
	v10 =	vsel vm5, $0x1, v0;
	v4 =	vld [tilespmem:s19+$0x10];
	v5 =	vadd.f32 v5, v7  }
0x61: {  	s18 =	sadd.s32 $0x8, s18;
	s17 =	sadd.s32 $0x80, s17;
	v9 =	vadd.s32 v10, v9;
	v10 =	vsel vm2, $0x1, v0;
	v7 =	vld [tilespmem:s19+$0xFFFFFFC0];
	v6 =	vnsel vm7, $0x0, v6  }
0x62: {  	p0 =	slt.u32 s18, $0x4D8;
	v9 =	vadd.s32 v10, v9;
	v10 =	vsel vm3, $0x1, v0;
	v12 =	vld [tilespmem:s17+$0xFFFFFFC0];
	v5 =	vadd.f32 v6, v5  }
0x63: {  	v9 =	vadd.s32 v10, v9;
	v10 =	vsel vm7, $0x1, v0;
	v6 =	vld [tilespmem:s19+$0xFFFFFFD0];
	v8 =	vnsel vm6, $0x0, v8  }
0x64: {  	v9 =	vadd.s32 v10, v9;
	v13 =	vld [tilespmem:s17+$0xFFFFFFD0];
	v5 =	vadd.f32 v8, v5;
	v8 =	vsel vm6, $0x1, v0  }
0x65: {  	v3 =	vnsel vm1, $0x0, v3;
	v14 =	vld [tilespmem:s19+$0xFFFFFFE0];
	v8 =	vadd.s32 v8, v9;
	v9 =	vsel vm1, $0x1, v0  }
0x66: {  	vm3 =	vgt.s32 v7, v1;
	v15 =	vld [tilespmem:s17+$0xFFFFFFE0];
	v3 =	vadd.f32 v3, v5;
	v9 =	vadd.s32 v9, v8  }
0x67: {  	v5 =	vnsel vm3, $0x0, v12;
	v12 =	vld [tilespmem:s19+$0xFFFFFFF0]  }
.Ltmp2:
0x68: {  	v3 =	vadd.f32 v5, v3;
	vm4 =	vgt.s32 v6, v1;
	v7 =	vld [tilespmem:s17+$0xFFFFFFF0];
	(pc) =	sbr.rel @p0 .LBB2_6-.Ltmp2, $4  }
0x69: {  	v5 =	vnsel vm4, $0x0, v13;
	v10 =	vld [tilespmem:s19+$0x0]  }
0x6a: {  	v6 =	vadd.f32 v5, v3;
	vm5 =	vgt.s32 v14, v1;
	v5 =	vld [tilespmem:s17+$0x0]  }
0x6b: {  	v8 =	vnsel vm5, $0x0, v15;
	v3 =	vld [tilespmem:s17+$0x30]  }
0x6c: {  	vm1 =	vgt.s32 v11, v1;
	s19 =	sadd.s32 $0x80, s19;
	v8 =	vadd.f32 v8, v6;
	vm2 =	vgt.s32 v12, v1;
	v6 =	vld [tilespmem:s17+$0x10]  }
0x6d: {  	v11 =	vsel vm3, $0x1, v0  }
0x6e: {  	v42 =	vsel vm4, $0x1, v0;
	v9 =	vadd.s32 v11, v9  }
0x6f: {  	v43 =	vsel vm5, $0x1, v0;
	v12 =	vld [tilespmem:$0x9C80];
	v9 =	vadd.s32 v42, v9  }
0x70: {  	v44 =	vsel vm2, $0x1, v0;
	v45 =	vld [tilespmem:$0x9C90];
	vm14 =	vgt.s32 v10, v1;
	v9 =	vadd.s32 v43, v9  }
0x71: {  	vm6 =	vgt.s32 v4, v1;
	v47 =	vsel vm14, $0x1, v0;
	v46 =	vadd.s32 v44, v9  }
0x72: {  	vm7 =	vgt.s32 v2, v1;
	v48 =	vsel vm6, $0x1, v0;
	v2 =	vadd.s32 v47, v46  }
0x73: {  	v49 =	vsel vm7, $0x1, v0;
	v2 =	vadd.s32 v48, v2  }
0x74: {  	v50 =	vsel vm1, $0x1, v0;
	vm3 =	vgt.s32 v12, v1;
	v2 =	vadd.s32 v49, v2  }
0x75: {  	vm15 =	vgt.s32 v45, v1;
	v51 =	vsel vm3, $0x1, v0;
	v2 =	vadd.s32 v50, v2  }
0x76: {  	v52 =	vsel vm15, $0x1, v0;
	v2 =	vadd.s32 v51, v2  }
0x77: {  	v2 =	vadd.s32 v52, v2  }
0x78: {  	v53 =	vld [tilespmem:s17+$0x20];
	[tilespmem:$0x9E80] =	vst v2  }
0x79: {  	[tilespmem:$0x9E90] =	vst v2  }
0x7a: {  	v54 =	vld [tilespmem:$0x9E88];
	_ =	sdelay $0x4  }
0x7b: {  	v2 =	vadd.s32 v2, v54  }
0x7c: {  	[tilespmem:$0x9E80] =	vst v2  }
0x7d: {  	[tilespmem:$0x9E90] =	vst v2  }
0x7e: {  	v55 =	vld [tilespmem:$0x9E84];
	_ =	sdelay $0x4  }
0x7f: {  	v2 =	vadd.s32 v2, v55  }
0x80: {  	[tilespmem:$0x9E80] =	vst v2  }
0x81: {  	v56 =	vnsel vm2, $0x0, v7;
	[tilespmem:$0x9E90] =	vst v2  }
0x82: {  	v4 =	vadd.f32 v56, v8;
	v57 =	vld [tilespmem:$0x9E82]  }
0x83: {  	v5 =	vnsel vm14, $0x0, v5  }
0x84: {  	v4 =	vadd.f32 v5, v4  }
0x85: {  	v58 =	vnsel vm6, $0x0, v6  }
0x86: {  	v59 =	vld [tilespmem:$0x4E00];
	v4 =	vadd.f32 v58, v4  }
0x87: {  	v60 =	vnsel vm7, $0x0, v53;
	v2 =	vadd.s32 v2, v57  }
0x88: {  	v61 =	vld [tilespmem:$0x4E10];
	v4 =	vadd.f32 v60, v4;
	[tilespmem:$0x9E80] =	vst v2  }
0x89: {  	v3 =	vnsel vm1, $0x0, v3;
	[tilespmem:$0x9E90] =	vst v2  }
0x8a: {  	v3 =	vadd.f32 v3, v4;
	v62 =	vld [tilespmem:$0x9E81]  }
0x8b: {  	v5 =	vnsel vm3, $0x0, v59  }
0x8c: {  	v3 =	vadd.f32 v5, v3  }
0x8d: {  	v63 =	vnsel vm15, $0x0, v61  }
0x8e: {  	v3 =	vadd.f32 v63, v3  }
0x8f: {  	v2 =	vadd.s32 v2, v62  }
0x90: {  	[tilespmem:$0x9D80] =	vst v3;
	v1 =	vsel vm0, v1, v2  }
0x91: {  	[tilespmem:$0x9E00] =	vst v1  }
0x92: {  	[hbm4b:s6+s2] =	stream.linear.scatter [tilespmem:s14], [sflag:$0x1], $0x80, $0x38;
	[tilespmem:$0x9F00] =	vst v63  }
0x93: {  	s16 =	sadd.s32 $0x1, s16;
	_ =	swait.ge [sflag:s11], $0x80  }
0x94: {  	p0 =	sne.s32 s16, s8;
	[sflag:s11] =	ssyncset.done $0x0  }
.Ltmp3:
0x95: {  	[sflag:s11] =	ssyncadd.s32 $0xFFFFFF80;
	(pc) =	sbr.rel @p0 .LBB2_1-.Ltmp3, $4  }
0x96: {  	[hbm4b:s7+s2] =	stream.linear.scatter [tilespmem:s15], [sflag:$0x1], $0x80, $0x38;
	[tilespmem:$0x9F00] =	vst v63  }
0x97: {  	_ =	swait.ge [sflag:s11], $0x80  }
0x98: {  	[sflag:s11] =	ssyncset.done $0x0  }
0x99: {  	[sflag:s11] =	ssyncadd.s32 $0xFFFFFF80  }
0x9a: {  	_ =	sfence.sel $0x180000  }
0x9b: {  	[bflag:$0x0] =	sbarrier.arrive $0xFFFF  }
0x9c: {  	p0 =	sne.s32 s1, $0x0;
	_ =	strace $0x90000047  }
0x9d: {  	s0 =	sadd.s32 @!p0 $0x100000, s0;
	[bflag:$0x2] =	sbarrier.arrive $0xFFFF  }
0x9e: {  	[sflag:s0] =	ssyncadd.tile.s32 @!p0 $0x1;
	_ =	shalt  }
.Lfunc_end2:
_tile_overlayer_lowered:
.L_overlay_start_2:
0x9f: {  	(tag) =	ssettag $0x2  }
0xa0: {  	s0 =	rddreg [dreg:$0x0];
	s2 =	stileid.u32  }
0xa1: {  	s1 =	rddreg [dreg:$0x1];
	p0 =	sne.s32 s2, $0x0  }
0xa2: {  	s3 =	rddreg [dreg:$0x2];
	[bflag:$0x3] =	sbarrier.arrive $0xFFFF;
	s2 =	simm.s32 @!p0 $0x1C01  }
0xa3: {  	[timem:s3], [sflag:s2] =	dma.local @!p0 [hbm:s0], s1  }
0xa4: {  	s0 =	simm.s32 @!p0 $0x1  }
0xa5: {  	_ =	swait.ge @!p0 [sflag:s0], s1  }
0xa6: {  	s1 =	ssub.s32 @!p0 $0x0, s1;
	[sflag:s0] =	ssyncset.done @!p0 $0x0  }
0xa7: {  	[sflag:s0] =	ssyncadd.s32 @!p0 s1  }
0xa8: {  	[bflag:$0x3] =	sbarrier.arrive $0xFFFF  }
0xa9: {  	_ =	shalt  }

</sc_bundles>
